<compile_context>
chip_gen: v7x
topology: tpu7x:2x2x1
jax: 0.10.2.dev20260603
libtpu: 0.0.44.dev20260713+nightly
codegen_flags: <defaults>
</compile_context>

<pallas_src>
import jax
import jax.numpy as jnp
from jax import lax
from jax.experimental import pallas as pl
from jax.experimental.pallas import tpu as pltpu
from jax.experimental.pallas import tpu_sc as plsc

_B = 16
_P = 1024
_K = 20
_N = _B * _P
_EPS = 1e-5


_NW = 32
_GCH = 512


def _sc_gather(table, idx):
    (E,) = idx.shape
    R, D = table.shape
    per_w = E // _NW
    steps = per_w // _GCH
    assert per_w * _NW == E and steps * _GCH == per_w
    mesh = plsc.VectorSubcoreMesh(core_axis_name="c", subcore_axis_name="s")

    def body(table_h, idx_h, out_h, idx_v, rows_v, sem):
        wid = lax.axis_index("s") * 2 + lax.axis_index("c")
        base = wid * per_w
        pltpu.sync_copy(idx_h.at[pl.ds(base, per_w)], idx_v)

        def step(g, carry):
            pltpu.async_copy(
                table_h.at[idx_v.at[pl.ds(g * _GCH, _GCH)]], rows_v, sem
            ).wait()
            pltpu.sync_copy(rows_v, out_h.at[pl.ds(base + g * _GCH, _GCH)])
            return carry

        lax.fori_loop(0, steps, step, 0)

    return pl.kernel(
        body,
        out_type=jax.ShapeDtypeStruct((E, D), jnp.float32),
        mesh=mesh,
        scratch_types=[
            pltpu.VMEM((per_w,), jnp.int32),
            pltpu.VMEM((_GCH, D), jnp.float32),
            pltpu.SemaphoreType.DMA,
        ],
    )(table, idx)


def _sc_gather_xyz(pos4, lidx):
    (E,) = lidx.shape
    Bq, Pq, _ = pos4.shape
    per_w = E // _NW
    mesh = plsc.VectorSubcoreMesh(core_axis_name="c", subcore_axis_name="s")

    pos_flat = pos4.reshape(Bq, Pq * 4)

    def body(pos_h, idx_h, out_h, pos_v, idx_v, xyz_v):
        wid = lax.axis_index("s") * 2 + lax.axis_index("c")
        g = wid // (_NW // Bq)
        base = wid * per_w
        pltpu.sync_copy(pos_h.at[g], pos_v)
        pltpu.sync_copy(idx_h.at[pl.ds(base, per_w)], idx_v)

        def step(t, carry):
            ii = idx_v[pl.ds(t * 16, 16)] * 4
            for c in range(3):
                vals = plsc.load_gather(pos_v, [ii + c])
                xyz_v[c, pl.ds(t * 16, 16)] = vals
            return carry

        lax.fori_loop(0, per_w // 16, step, 0)
        pltpu.sync_copy(xyz_v, out_h.at[:, pl.ds(base, per_w)])

    return pl.kernel(
        body,
        out_type=jax.ShapeDtypeStruct((4, E), jnp.float32),
        mesh=mesh,
        compiler_params=pltpu.CompilerParams(needs_layout_passes=False),
        scratch_types=[
            pltpu.VMEM((Pq * 4,), jnp.float32),
            pltpu.VMEM((per_w,), jnp.int32),
            pltpu.VMEM((4, per_w), jnp.float32),
        ],
    )(pos_flat, lidx)


def _edge1_stats_pallas(xjp, x, W1aT, b1a):
    E = xjp.shape[1]
    G = x.shape[0]
    EG = E // G

    def body(xjp_ref, xt_ref, w_ref, b_ref, o_ref):
        xt = xt_ref[0]
        xi = jnp.broadcast_to(xt[:, None, :], (3, _K, _P)).reshape(3, EG)
        xj = xjp_ref[:3]
        f1t = jnp.concatenate([xi, xj - xi], axis=0)
        h = jnp.dot(w_ref[...], f1t, preferred_element_type=jnp.float32)
        h = h + b_ref[...]
        o_ref[0, 0, :] = jnp.sum(h, axis=1)
        o_ref[0, 1, :] = jnp.sum(h * h, axis=1)

    return pl.pallas_call(
        body,
        grid=(G,),
        in_specs=[
            pl.BlockSpec((4, EG), lambda g: (0, g)),
            pl.BlockSpec((1, 3, _P), lambda g: (g, 0, 0)),
            pl.BlockSpec((64, 6), lambda g: (0, 0)),
            pl.BlockSpec((64, 1), lambda g: (0, 0)),
        ],
        out_specs=pl.BlockSpec((1, 2, 64), lambda g: (g, 0, 0)),
        out_shape=jax.ShapeDtypeStruct((G, 2, 64), jnp.float32),
    )(xjp, jnp.transpose(x, (0, 2, 1)), W1aT, b1a.reshape(64, 1))


def _edge1_apply_pallas(xjp, x, W1aT, b1a, bn, W1bT, b1b):
    E = xjp.shape[1]
    G = x.shape[0]
    EG = E // G

    def body(xjp_ref, xt_ref, wa_ref, ba_ref, bn_ref, wb_ref, bb_ref, o_ref):
        xt = xt_ref[0]
        xi = jnp.broadcast_to(xt[:, None, :], (3, _K, _P)).reshape(3, EG)
        xj = xjp_ref[:3]
        f1t = jnp.concatenate([xi, xj - xi], axis=0)
        h = jnp.dot(wa_ref[...], f1t, preferred_element_type=jnp.float32)
        h = h + ba_ref[...]
        mu = bn_ref[0, 0, :].reshape(64, 1)
        sv = bn_ref[0, 1, :].reshape(64, 1)
        ga = bn_ref[0, 2, :].reshape(64, 1)
        be = bn_ref[0, 3, :].reshape(64, 1)
        h = (h - mu) / sv * ga + be
        h = jnp.maximum(h, 0.0)
        h2 = jnp.dot(wb_ref[...], h, preferred_element_type=jnp.float32)
        h2 = h2 + bb_ref[...]
        o_ref[0] = jnp.max(h2.reshape(64, _K, _P), axis=1)

    return pl.pallas_call(
        body,
        grid=(G,),
        in_specs=[
            pl.BlockSpec((4, EG), lambda g: (0, g)),
            pl.BlockSpec((1, 3, _P), lambda g: (g, 0, 0)),
            pl.BlockSpec((64, 6), lambda g: (0, 0)),
            pl.BlockSpec((64, 1), lambda g: (0, 0)),
            pl.BlockSpec((1, 4, 64), lambda g: (g // _B, 0, 0)),
            pl.BlockSpec((64, 64), lambda g: (0, 0)),
            pl.BlockSpec((64, 1), lambda g: (0, 0)),
        ],
        out_specs=pl.BlockSpec((1, 64, _P), lambda g: (g, 0, 0)),
        out_shape=jax.ShapeDtypeStruct((G, 64, _P), jnp.float32),
    )(xjp, jnp.transpose(x, (0, 2, 1)), W1aT, b1a.reshape(64, 1), bn,
      W1bT, b1b.reshape(64, 1))


def _q_pallas(x1, W2b):
    def body(x_ref, w_ref, o_ref):
        o_ref[0] = jnp.dot(x_ref[0], w_ref[...],
                           preferred_element_type=jnp.float32)

    G = x1.shape[0]
    return pl.pallas_call(
        body,
        grid=(G,),
        in_specs=[pl.BlockSpec((1, _P, 64), lambda g: (g, 0, 0)),
                  pl.BlockSpec((64, 128), lambda g: (0, 0))],
        out_specs=pl.BlockSpec((1, _P, 128), lambda g: (g, 0, 0)),
        out_shape=jax.ShapeDtypeStruct((G, _P, 128), jnp.float32),
    )(x1, W2b)


def _tail_pallas(x1, qg, W2d, b2, Wl, bl):
    EG = _P * _K

    def body(x_ref, qg_ref, wd_ref, b2_ref, wl_ref, bl_ref, o_ref):
        x1b = x_ref[0]
        p = jnp.dot(x1b, wd_ref[...], preferred_element_type=jnp.float32)
        p = p + b2_ref[...]
        mq = jnp.max(qg_ref[...].reshape(_P, _K, 128), axis=1)
        x2 = p + mq
        cat = jnp.concatenate([x1b, x2], axis=1)
        hp = jnp.dot(cat, wl_ref[...], preferred_element_type=jnp.float32)
        hp = hp + bl_ref[...]
        o_ref[0] = jnp.max(hp, axis=0, keepdims=True)

    G = x1.shape[0]
    return pl.pallas_call(
        body,
        grid=(G,),
        in_specs=[
            pl.BlockSpec((1, _P, 64), lambda g: (g, 0, 0)),
            pl.BlockSpec((EG, 128), lambda g: (g, 0)),
            pl.BlockSpec((64, 128), lambda g: (0, 0)),
            pl.BlockSpec((1, 128), lambda g: (0, 0)),
            pl.BlockSpec((192, 128), lambda g: (0, 0)),
            pl.BlockSpec((1, 128), lambda g: (0, 0)),
        ],
        out_specs=pl.BlockSpec((1, 1, 128), lambda g: (g, 0, 0)),
        out_shape=jax.ShapeDtypeStruct((G, 1, 128), jnp.float32),
    )(x1, qg, W2d, b2.reshape(1, 128), Wl, bl.reshape(1, 128))[:, 0, :]


def _head_pallas(h, W3a, b3a, W3b, b3b):
    def body(h_ref, wa_ref, ba_ref, wb_ref, bb_ref, o_ref):
        t = jnp.maximum(
            jnp.dot(h_ref[...], wa_ref[...], preferred_element_type=jnp.float32)
            + ba_ref[...],
            0.0,
        )
        o_ref[...] = (
            jnp.dot(t, wb_ref[...], preferred_element_type=jnp.float32) + bb_ref[...]
        )

    return pl.pallas_call(
        body,
        out_shape=jax.ShapeDtypeStruct((h.shape[0], 32), jnp.float32),
    )(h, W3a, b3a.reshape(1, -1), W3b, b3b.reshape(1, -1))


def _knn_idx(x):
    Bq, Pq, d = x.shape
    xt = jnp.transpose(x, (0, 2, 1))

    def body(x_ref, xt_ref, o_ref):
        xx = x_ref[0]
        xxt = xt_ref[0]
        sq = jnp.sum(xx * xx, axis=1)
        cross = jnp.dot(xx, xxt, preferred_element_type=jnp.float32)
        d2 = sq[:, None] + sq[None, :] - 2.0 * cross
        colio = jax.lax.broadcasted_iota(jnp.int32, (Pq, Pq), 1)
        for k in range(_K):
            m = jnp.min(d2, axis=1, keepdims=True)
            idx = jnp.min(jnp.where(d2 <= m, colio, Pq), axis=1)
            o_ref[0, k, :] = idx
            d2 = jnp.where(colio == idx[:, None], jnp.inf, d2)

    out = pl.pallas_call(
        body,
        grid=(Bq,),
        in_specs=[pl.BlockSpec((1, Pq, d), lambda b: (b, 0, 0)),
                  pl.BlockSpec((1, d, Pq), lambda b: (b, 0, 0))],
        out_specs=pl.BlockSpec((1, 32, Pq), lambda b: (b, 0, 0)),
        out_shape=jax.ShapeDtypeStruct((Bq, 32, Pq), jnp.int32),
    )(x, xt)
    return jnp.transpose(out[:, :_K, :], (0, 2, 1))


def kernel(pos_1, pos_2, batch, W1a, b1a, g1a, be1a, W1b, b1b, W2, b2, Wl, bl, W3a, b3a, W3b, b3b):
    G = 2 * _B
    x = jnp.concatenate([pos_1.reshape(_B, _P, 3),
                         pos_2.reshape(_B, _P, 3)], axis=0)
    idx = _knn_idx(x)

    offs = (jnp.arange(G, dtype=jnp.int32) * _P)[:, None, None]
    pos4 = jnp.pad(x, ((0, 0), (0, 0), (0, 1)))
    lidx = jnp.transpose(idx, (0, 2, 1)).reshape(-1)
    xjp = _sc_gather_xyz(pos4, lidx)
    W1aT = jnp.transpose(W1a)
    sums = _edge1_stats_pallas(xjp, x, W1aT, b1a)
    S = jnp.stack([jnp.sum(sums[:_B], axis=0),
                   jnp.sum(sums[_B:], axis=0)])
    nE = float(_N * _K)
    mu = S[:, 0] / nE
    var = S[:, 1] / nE - mu * mu
    sv = jnp.sqrt(var + _EPS)
    bn = jnp.stack([mu, sv,
                    jnp.broadcast_to(g1a, (2, 64)),
                    jnp.broadcast_to(be1a, (2, 64))], axis=1)
    x1t = _edge1_apply_pallas(xjp, x, W1aT, b1a, bn, jnp.transpose(W1b), b1b)
    x1 = jnp.transpose(x1t, (0, 2, 1))

    idx2 = _knn_idx(x1)
    q = _q_pallas(x1, W2[64:])
    gidx2 = (idx2 + offs).reshape(-1)
    qg = _sc_gather(q.reshape(G * _P, 128), gidx2)
    h = _tail_pallas(x1, qg, W2[:64] - W2[64:], b2, Wl, bl)
    c = _head_pallas(h, W3a, b3a, W3b, b3b)
    return (h[:_B], h[_B:], c[:_B], c[_B:])

# --- scband reference (transcript-rebuilt; emitter-appended) ---
"""Pipeline reference for scband-network-23089744183546 (READ-ONLY COPY).

The authoritative reference and input builder live on the scoring server;
editing this copy changes nothing except your own understanding.
"""

import jax, jax.numpy as jnp
import numpy as np

B = 16
P = 1024
K = 20
N = B * P
EPS = 1e-5


def _init_w(key, fan_in, fan_out):
    return (jax.random.normal(key, (fan_in, fan_out), dtype=jnp.float32) / np.sqrt(fan_in)).astype(jnp.float32)


def setup_inputs(seed: int = 0):
    key = jax.random.key(seed)
    ks = jax.random.split(key, 16)
    inp = {}
    # Two pre-augmented views of the same point-cloud batch (jitter/flip/shear are
    # random affine+noise ops, so two independent gaussian clouds are a faithful stand-in).
    inp["pos_1"] = jax.random.normal(ks[0], (N, 3), dtype=jnp.float32)
    inp["pos_2"] = jax.random.normal(ks[1], (N, 3), dtype=jnp.float32)
    inp["batch"] = (jnp.arange(N) // P).astype(jnp.int32)
    # conv1: DynamicEdgeConv(MLP([6, 64, 64])) -> Lin+BN+ReLU, Lin (plain last)
    inp["W1a"] = _init_w(ks[2], 6, 64)
    inp["b1a"] = jnp.zeros((64,), jnp.float32)
    inp["g1a"] = jnp.ones((64,), jnp.float32)
    inp["be1a"] = jnp.zeros((64,), jnp.float32)
    inp["W1b"] = _init_w(ks[3], 64, 64)
    inp["b1b"] = jnp.zeros((64,), jnp.float32)
    # conv2: DynamicEdgeConv(MLP([128, 128])) -> single plain Linear
    inp["W2"] = _init_w(ks[4], 128, 128)
    inp["b2"] = jnp.zeros((128,), jnp.float32)
    # lin1: Linear(192, 128)
    inp["Wl"] = _init_w(ks[5], 192, 128)
    inp["bl"] = jnp.zeros((128,), jnp.float32)
    # mlp: MLP([128, 256, 32], norm=None) -> Lin+ReLU, Lin (plain last)
    inp["W3a"] = _init_w(ks[6], 128, 256)
    inp["b3a"] = jnp.zeros((256,), jnp.float32)
    inp["W3b"] = _init_w(ks[7], 256, 32)
    inp["b3b"] = jnp.zeros((32,), jnp.float32)
    return inp


def _knn_idx(x):
    # x: (B, P, d); k nearest (incl. self, matching torch_cluster.knn with x==y)
    sq = jnp.sum(x * x, axis=-1)
    d2 = sq[:, :, None] + sq[:, None, :] - 2.0 * jnp.einsum('bpd,bqd->bpq', x, x)
    _, idx = jax.lax.top_k(-d2, K)
    return idx


def _edge_feats(x):
    idx = _knn_idx(x)
    xj = jax.vmap(lambda xx, ii: xx[ii])(x, idx)  # gather neighbors (B,P,K,d)
    xi = jnp.broadcast_to(x[:, :, None, :], xj.shape)
    return jnp.concatenate([xi, xj - xi], axis=-1)


def _branch(pos, batch, W1a, b1a, g1a, be1a, W1b, b1b, W2, b2, Wl, bl):
    x = pos.reshape(B, P, 3)
    f1 = _edge_feats(x).reshape(-1, 6)
    h = f1 @ W1a + b1a
    mu = jnp.mean(h, axis=0)
    var = jnp.var(h, axis=0)
    h = (h - mu) / jnp.sqrt(var + EPS) * g1a + be1a
    h = jax.nn.relu(h)
    h = h @ W1b + b1b
    x1 = jnp.max(h.reshape(B, P, K, 64), axis=2)  # EdgeConv max aggregation
    f2 = _edge_feats(x1).reshape(-1, 128)  # dynamic kNN recomputed in feature space
    h2 = f2 @ W2 + b2
    x2 = jnp.max(h2.reshape(B, P, K, 128), axis=2)
    hp = jnp.concatenate([x1, x2], axis=-1).reshape(N, 192) @ Wl + bl
    return jax.ops.segment_max(hp, batch, num_segments=B, indices_are_sorted=True)


def reference(pos_1, pos_2, batch, W1a, b1a, g1a, be1a, W1b, b1b, W2, b2, Wl, bl, W3a, b3a, W3b, b3b):
    h1 = _branch(pos_1, batch, W1a, b1a, g1a, be1a, W1b, b1b, W2, b2, Wl, bl)
    h2 = _branch(pos_2, batch, W1a, b1a, g1a, be1a, W1b, b1b, W2, b2, Wl, bl)
    c1 = jax.nn.relu(h1 @ W3a + b3a) @ W3b + b3b
    c2 = jax.nn.relu(h2 @ W3a + b3a) @ W3b + b3b
    return (h1, h2, c1, c2)

if __name__ == "__main__":
    import jax
    _d = setup_inputs()
    print(jax.jit(kernel)(*tuple(_d.values())))

</pallas_src>

<mosaic_0001>
#map = affine_map<(d0, d1) -> (0, 0)>
#map1 = affine_map<(d0, d1) -> (0)>
module attributes {stable_mosaic.version = 14 : i64} {
  func.func @body(%arg0: i32, %arg1: i32, %arg2: memref<32768x128xf32, #tpu.memory_space<hbm>>, %arg3: memref<655360xi32, #tpu.memory_space<hbm>>, %arg4: memref<655360x128xf32, #tpu.memory_space<hbm>>, %arg5: memref<20480xi32, #tpu.memory_space<vmem>>, %arg6: memref<512x128xf32, #tpu.memory_space<vmem>>, %arg7: memref<!tpu.dma_semaphore, #tpu.memory_space<semaphore_mem>>) attributes {dimension_semantics = [#tpu.dimension_semantics<core_parallel>, #tpu.dimension_semantics<subcore_parallel>], iteration_bounds = array<i64: 2, 16>, scalar_prefetch = 0 : i64, scratch_operands = 3 : i64, tpu.core_type = #tpu.core_type<sc_vector_subcore>, window_params = [{transform_indices = #map}, {transform_indices = #map1}, {transform_indices = #map}]} {
    %mul3A = arith.constant 2 : i32
    %mul3A_0 = arith.muli %arg1, %mul3A : i32
    %add3A = arith.addi %mul3A_0, %arg0 : i32
    %mul3A_1 = arith.constant 20480 : i32
    %mul3A_2 = arith.muli %add3A, %mul3A_1 : i32
    "tpu.region"() ({
      %run_scoped3A = tpu.sem_alloc : memref<!tpu.dma_semaphore, #tpu.memory_space<semaphore_mem>>
      %dma_start3A = tpu.memref_slice %arg3[%mul3A_2] : memref<655360xi32, #tpu.memory_space<hbm>> -> memref<20480xi32, #tpu.memory_space<hbm>>
      %dma_start3A_8 = tpu.memref_slice %arg3[%mul3A_2] : memref<655360xi32, #tpu.memory_space<hbm>> -> memref<20480xi32, #tpu.memory_space<hbm>>
      tpu.enqueue_dma source(%dma_start3A_8 : memref<20480xi32, #tpu.memory_space<hbm>>) target(%arg5 : memref<20480xi32, #tpu.memory_space<vmem>>) target_semaphore(%run_scoped3A : memref<!tpu.dma_semaphore, #tpu.memory_space<semaphore_mem>>)
      %dma_wait3A = tpu.memref_slice %arg3[%mul3A_2] : memref<655360xi32, #tpu.memory_space<hbm>> -> memref<20480xi32, #tpu.memory_space<hbm>>
      %dma_wait3A_9 = tpu.memref_slice %arg3[%mul3A_2] : memref<655360xi32, #tpu.memory_space<hbm>> -> memref<20480xi32, #tpu.memory_space<hbm>>
      tpu.wait_dma2 semaphore(%run_scoped3A : memref<!tpu.dma_semaphore, #tpu.memory_space<semaphore_mem>>) src(%dma_wait3A_9 : memref<20480xi32, #tpu.memory_space<hbm>>) dst(%arg5 : memref<20480xi32, #tpu.memory_space<vmem>>)
      tpu.yield
    }) : () -> ()
    %scan3A = arith.constant 0 : i32
    %scan3A_3 = arith.constant 0 : i32
    %scan3A_4 = arith.constant 40 : i32
    %scan3A_5 = arith.addi %scan3A_3, %scan3A_4 : i32
    %scan3A_6 = arith.constant 1 : i32
    scf.for %scan3A_8 = %scan3A_3 to %scan3A_5 step %scan3A_6  : i32 {
      %mul3A_9 = arith.constant 512 : i32
      %mul3A_10 = arith.muli %scan3A_8, %mul3A_9 : i32
      %dma_start3A = tpu.memref_slice %arg5[%mul3A_10] : memref<20480xi32, #tpu.memory_space<vmem>> -> memref<512xi32, #tpu.memory_space<vmem>>
      %dma_start3A_11 = arith.constant 0 : i32
      %dma_start3A_12 = arith.constant 0 : i32
      %dma_start3A_13 = tpu.memref_slice %arg2[%dma_start3A_11, %dma_start3A_12] : memref<32768x128xf32, #tpu.memory_space<hbm>> -> memref<32768x128xf32, #tpu.memory_space<hbm>>
      tpu.enqueue_indirect_dma source(%dma_start3A_13 : memref<32768x128xf32, #tpu.memory_space<hbm>>) target(%arg6 : memref<512x128xf32, #tpu.memory_space<vmem>>) offsets(%dma_start3A : memref<512xi32, #tpu.memory_space<vmem>>) semaphore(%arg7 : memref<!tpu.dma_semaphore, #tpu.memory_space<semaphore_mem>>)
      %dma_wait3A = tpu.memref_slice %arg5[%mul3A_10] : memref<20480xi32, #tpu.memory_space<vmem>> -> memref<512xi32, #tpu.memory_space<vmem>>
      %dma_wait3A_14 = arith.constant 0 : i32
      %dma_wait3A_15 = arith.constant 0 : i32
      %dma_wait3A_16 = tpu.memref_slice %arg2[%dma_wait3A_14, %dma_wait3A_15] : memref<32768x128xf32, #tpu.memory_space<hbm>> -> memref<32768x128xf32, #tpu.memory_space<hbm>>
      tpu.wait_indirect_dma semaphore(%arg7 : memref<!tpu.dma_semaphore, #tpu.memory_space<semaphore_mem>>) src(%dma_wait3A_16 : memref<32768x128xf32, #tpu.memory_space<hbm>>) dst(%arg6 : memref<512x128xf32, #tpu.memory_space<vmem>>)
      %mul3A_17 = arith.constant 512 : i32
      %mul3A_18 = arith.muli %scan3A_8, %mul3A_17 : i32
      %add3A_19 = arith.addi %mul3A_2, %mul3A_18 : i32
      "tpu.region"() ({
        %run_scoped3A = tpu.sem_alloc : memref<!tpu.dma_semaphore, #tpu.memory_space<semaphore_mem>>
        %dma_start3A_20 = arith.constant 0 : i32
        %dma_start3A_21 = tpu.memref_slice %arg4[%add3A_19, %dma_start3A_20] : memref<655360x128xf32, #tpu.memory_space<hbm>> -> memref<512x128xf32, #tpu.memory_space<hbm>>
        %dma_start3A_22 = arith.constant 0 : i32
        %dma_start3A_23 = tpu.memref_slice %arg4[%add3A_19, %dma_start3A_22] : memref<655360x128xf32, #tpu.memory_space<hbm>> -> memref<512x128xf32, #tpu.memory_space<hbm>>
        tpu.enqueue_dma source(%arg6 : memref<512x128xf32, #tpu.memory_space<vmem>>) target(%dma_start3A_23 : memref<512x128xf32, #tpu.memory_space<hbm>>) target_semaphore(%run_scoped3A : memref<!tpu.dma_semaphore, #tpu.memory_space<semaphore_mem>>)
        %dma_wait3A_24 = arith.constant 0 : i32
        %dma_wait3A_25 = tpu.memref_slice %arg4[%add3A_19, %dma_wait3A_24] : memref<655360x128xf32, #tpu.memory_space<hbm>> -> memref<512x128xf32, #tpu.memory_space<hbm>>
        %dma_wait3A_26 = arith.constant 0 : i32
        %dma_wait3A_27 = tpu.memref_slice %arg4[%add3A_19, %dma_wait3A_26] : memref<655360x128xf32, #tpu.memory_space<hbm>> -> memref<512x128xf32, #tpu.memory_space<hbm>>
        tpu.wait_dma2 semaphore(%run_scoped3A : memref<!tpu.dma_semaphore, #tpu.memory_space<semaphore_mem>>) src(%arg6 : memref<512x128xf32, #tpu.memory_space<vmem>>) dst(%dma_wait3A_27 : memref<512x128xf32, #tpu.memory_space<hbm>>)
        tpu.yield
      }) : () -> ()
    }
    %scan3A_7 = arith.constant 40 : i32
    return
  }
}

#map = affine_map<(d0, d1) -> (0, 0)>
#map1 = affine_map<(d0, d1) -> (0)>
module attributes {stable_mosaic.version = 14 : i64} {
  func.func @body(%arg0: i32, %arg1: i32, %arg2: memref<32x4096xf32, #tpu.memory_space<hbm>>, %arg3: memref<655360xi32, #tpu.memory_space<hbm>>, %arg4: memref<4x655360xf32, #tpu.memory_space<hbm>>, %arg5: memref<4096xf32, #tpu.memory_space<vmem>>, %arg6: memref<20480xi32, #tpu.memory_space<vmem>>, %arg7: memref<4x20480xf32, #tpu.memory_space<vmem>>) attributes {dimension_semantics = [#tpu.dimension_semantics<core_parallel>, #tpu.dimension_semantics<subcore_parallel>], iteration_bounds = array<i64: 2, 16>, scalar_prefetch = 0 : i64, scratch_operands = 3 : i64, tpu.core_type = #tpu.core_type<sc_vector_subcore>, window_params = [{transform_indices = #map}, {transform_indices = #map1}, {transform_indices = #map}]} {
    %mul3A = arith.constant 2 : i32
    %mul3A_0 = arith.muli %arg1, %mul3A : i32
    %add3A = arith.addi %mul3A_0, %arg0 : i32
    %jit3A = arith.constant 1 : i32
    %div3A = arith.divsi %add3A, %jit3A : i32
    %sign3A = arith.constant 0 : i32
    %sign3A_1 = arith.cmpi sgt, %add3A, %sign3A : i32
    %sign3A_2 = arith.extui %sign3A_1 : i1 to i32
    %sign3A_3 = arith.constant 0 : i32
    %sign3A_4 = arith.cmpi slt, %add3A, %sign3A_3 : i32
    %sign3A_5 = arith.extui %sign3A_4 : i1 to i32
    %sign3A_6 = arith.subi %sign3A_2, %sign3A_5 : i32
    %sign3A_7 = arith.constant 0 : i32
    %sign3A_8 = arith.cmpi sgt, %jit3A, %sign3A_7 : i32
    %sign3A_9 = arith.extui %sign3A_8 : i1 to i32
    %sign3A_10 = arith.constant 0 : i32
    %sign3A_11 = arith.cmpi slt, %jit3A, %sign3A_10 : i32
    %sign3A_12 = arith.extui %sign3A_11 : i1 to i32
    %sign3A_13 = arith.subi %sign3A_9, %sign3A_12 : i32
    %ne3A = arith.cmpi ne, %sign3A_6, %sign3A_13 : i32
    %rem3A = arith.remsi %add3A, %jit3A : i32
    %ne3A_14 = arith.constant 0 : i32
    %ne3A_15 = arith.cmpi ne, %rem3A, %ne3A_14 : i32
    %and3A = arith.andi %ne3A, %ne3A_15 : i1
    %sub3A = arith.constant 1 : i32
    %sub3A_16 = arith.subi %div3A, %sub3A : i32
    %select_n3A = arith.select %and3A, %sub3A_16, %div3A : i32
    %mul3A_17 = arith.constant 20480 : i32
    %mul3A_18 = arith.muli %add3A, %mul3A_17 : i32
    "tpu.region"() ({
      %run_scoped3A = tpu.sem_alloc : memref<!tpu.dma_semaphore, #tpu.memory_space<semaphore_mem>>
      %dma_start3A = arith.constant 0 : i32
      %dma_start3A_24 = tpu.memref_slice %arg2[%select_n3A, %dma_start3A] : memref<32x4096xf32, #tpu.memory_space<hbm>> -> memref<1x4096xf32, #tpu.memory_space<hbm>>
      %dma_start3A_25 = tpu.memref_squeeze %dma_start3A_24 : memref<1x4096xf32, #tpu.memory_space<hbm>> -> memref<4096xf32, #tpu.memory_space<hbm>>
      %dma_start3A_26 = arith.constant 0 : i32
      %dma_start3A_27 = tpu.memref_slice %arg2[%select_n3A, %dma_start3A_26] : memref<32x4096xf32, #tpu.memory_space<hbm>> -> memref<1x4096xf32, #tpu.memory_space<hbm>>
      %dma_start3A_28 = tpu.memref_squeeze %dma_start3A_27 : memref<1x4096xf32, #tpu.memory_space<hbm>> -> memref<4096xf32, #tpu.memory_space<hbm>>
      tpu.enqueue_dma source(%dma_start3A_28 : memref<4096xf32, #tpu.memory_space<hbm>>) target(%arg5 : memref<4096xf32, #tpu.memory_space<vmem>>) target_semaphore(%run_scoped3A : memref<!tpu.dma_semaphore, #tpu.memory_space<semaphore_mem>>)
      %dma_wait3A = arith.constant 0 : i32
      %dma_wait3A_29 = tpu.memref_slice %arg2[%select_n3A, %dma_wait3A] : memref<32x4096xf32, #tpu.memory_space<hbm>> -> memref<1x4096xf32, #tpu.memory_space<hbm>>
      %dma_wait3A_30 = tpu.memref_squeeze %dma_wait3A_29 : memref<1x4096xf32, #tpu.memory_space<hbm>> -> memref<4096xf32, #tpu.memory_space<hbm>>
      %dma_wait3A_31 = arith.constant 0 : i32
      %dma_wait3A_32 = tpu.memref_slice %arg2[%select_n3A, %dma_wait3A_31] : memref<32x4096xf32, #tpu.memory_space<hbm>> -> memref<1x4096xf32, #tpu.memory_space<hbm>>
      %dma_wait3A_33 = tpu.memref_squeeze %dma_wait3A_32 : memref<1x4096xf32, #tpu.memory_space<hbm>> -> memref<4096xf32, #tpu.memory_space<hbm>>
      tpu.wait_dma2 semaphore(%run_scoped3A : memref<!tpu.dma_semaphore, #tpu.memory_space<semaphore_mem>>) src(%dma_wait3A_33 : memref<4096xf32, #tpu.memory_space<hbm>>) dst(%arg5 : memref<4096xf32, #tpu.memory_space<vmem>>)
      tpu.yield
    }) : () -> ()
    "tpu.region"() ({
      %run_scoped3A = tpu.sem_alloc : memref<!tpu.dma_semaphore, #tpu.memory_space<semaphore_mem>>
      %dma_start3A = tpu.memref_slice %arg3[%mul3A_18] : memref<655360xi32, #tpu.memory_space<hbm>> -> memref<20480xi32, #tpu.memory_space<hbm>>
      %dma_start3A_24 = tpu.memref_slice %arg3[%mul3A_18] : memref<655360xi32, #tpu.memory_space<hbm>> -> memref<20480xi32, #tpu.memory_space<hbm>>
      tpu.enqueue_dma source(%dma_start3A_24 : memref<20480xi32, #tpu.memory_space<hbm>>) target(%arg6 : memref<20480xi32, #tpu.memory_space<vmem>>) target_semaphore(%run_scoped3A : memref<!tpu.dma_semaphore, #tpu.memory_space<semaphore_mem>>)
      %dma_wait3A = tpu.memref_slice %arg3[%mul3A_18] : memref<655360xi32, #tpu.memory_space<hbm>> -> memref<20480xi32, #tpu.memory_space<hbm>>
      %dma_wait3A_25 = tpu.memref_slice %arg3[%mul3A_18] : memref<655360xi32, #tpu.memory_space<hbm>> -> memref<20480xi32, #tpu.memory_space<hbm>>
      tpu.wait_dma2 semaphore(%run_scoped3A : memref<!tpu.dma_semaphore, #tpu.memory_space<semaphore_mem>>) src(%dma_wait3A_25 : memref<20480xi32, #tpu.memory_space<hbm>>) dst(%arg6 : memref<20480xi32, #tpu.memory_space<vmem>>)
      tpu.yield
    }) : () -> ()
    %scan3A = arith.constant 0 : i32
    %scan3A_19 = arith.constant 0 : i32
    %scan3A_20 = arith.constant 1280 : i32
    %scan3A_21 = arith.addi %scan3A_19, %scan3A_20 : i32
    %scan3A_22 = arith.constant 1 : i32
    scf.for %scan3A_24 = %scan3A_19 to %scan3A_21 step %scan3A_22  : i32 {
      %mul3A_25 = arith.constant 16 : i32
      %mul3A_26 = arith.muli %scan3A_24, %mul3A_25 : i32
      %get3A = arith.index_cast %mul3A_26 : i32 to index
      %get3A_27 = tpu.vector_load %arg6[%get3A] {strides = array<i32>} : memref<20480xi32, #tpu.memory_space<vmem>>, vector<16xi32>,
      %mul3A_28 = arith.constant 4 : i32
      %mul3A_29 = vector.broadcast %mul3A_28 : i32 to vector<16xi32>
      %mul3A_30 = arith.muli %get3A_27, %mul3A_29 : vector<16xi32>
      %add3A_31 = arith.constant 0 : i32
      %add3A_32 = vector.broadcast %add3A_31 : i32 to vector<16xi32>
      %add3A_33 = arith.addi %mul3A_30, %add3A_32 : vector<16xi32>
      %gather3A = tpu.vector_load_idx %arg5[%add3A_33] : memref<4096xf32, #tpu.memory_space<vmem>>[vector<16xi32>], vector<16xf32>,
      %mul3A_34 = arith.constant 16 : i32
      %mul3A_35 = arith.muli %scan3A_24, %mul3A_34 : i32
      %swap3A = arith.constant 0 : i32
      %swap3A_36 = arith.index_cast %swap3A : i32 to index
      %swap3A_37 = arith.index_cast %mul3A_35 : i32 to index
      %swap3A_38 = tpu.vector_load %arg7[%swap3A_36, %swap3A_37] {strides = array<i32>} : memref<4x20480xf32, #tpu.memory_space<vmem>>, vector<16xf32>,
      tpu.vector_store %arg7[%swap3A_36, %swap3A_37], %gather3A {strides = array<i32>} : memref<4x20480xf32, #tpu.memory_space<vmem>>, vector<16xf32>,
      %add3A_39 = arith.constant 1 : i32
      %add3A_40 = vector.broadcast %add3A_39 : i32 to vector<16xi32>
      %add3A_41 = arith.addi %mul3A_30, %add3A_40 : vector<16xi32>
      %gather3A_42 = tpu.vector_load_idx %arg5[%add3A_41] : memref<4096xf32, #tpu.memory_space<vmem>>[vector<16xi32>], vector<16xf32>,
      %mul3A_43 = arith.constant 16 : i32
      %mul3A_44 = arith.muli %scan3A_24, %mul3A_43 : i32
      %swap3A_45 = arith.constant 1 : i32
      %swap3A_46 = arith.index_cast %swap3A_45 : i32 to index
      %swap3A_47 = arith.index_cast %mul3A_44 : i32 to index
      %swap3A_48 = tpu.vector_load %arg7[%swap3A_46, %swap3A_47] {strides = array<i32>} : memref<4x20480xf32, #tpu.memory_space<vmem>>, vector<16xf32>,
      tpu.vector_store %arg7[%swap3A_46, %swap3A_47], %gather3A_42 {strides = array<i32>} : memref<4x20480xf32, #tpu.memory_space<vmem>>, vector<16xf32>,
      %add3A_49 = arith.constant 2 : i32
      %add3A_50 = vector.broadcast %add3A_49 : i32 to vector<16xi32>
      %add3A_51 = arith.addi %mul3A_30, %add3A_50 : vector<16xi32>
      %gather3A_52 = tpu.vector_load_idx %arg5[%add3A_51] : memref<4096xf32, #tpu.memory_space<vmem>>[vector<16xi32>], vector<16xf32>,
      %mul3A_53 = arith.constant 16 : i32
      %mul3A_54 = arith.muli %scan3A_24, %mul3A_53 : i32
      %swap3A_55 = arith.constant 2 : i32
      %swap3A_56 = arith.index_cast %swap3A_55 : i32 to index
      %swap3A_57 = arith.index_cast %mul3A_54 : i32 to index
      %swap3A_58 = tpu.vector_load %arg7[%swap3A_56, %swap3A_57] {strides = array<i32>} : memref<4x20480xf32, #tpu.memory_space<vmem>>, vector<16xf32>,
      tpu.vector_store %arg7[%swap3A_56, %swap3A_57], %gather3A_52 {strides = array<i32>} : memref<4x20480xf32, #tpu.memory_space<vmem>>, vector<16xf32>,
    }
    %scan3A_23 = arith.constant 1280 : i32
    "tpu.region"() ({
      %run_scoped3A = tpu.sem_alloc : memref<!tpu.dma_semaphore, #tpu.memory_space<semaphore_mem>>
      %dma_start3A = arith.constant 0 : i32
      %dma_start3A_24 = tpu.memref_slice %arg4[%dma_start3A, %mul3A_18] : memref<4x655360xf32, #tpu.memory_space<hbm>> -> memref<4x20480xf32, #tpu.memory_space<hbm>>
      %dma_start3A_25 = arith.constant 0 : i32
      %dma_start3A_26 = tpu.memref_slice %arg4[%dma_start3A_25, %mul3A_18] : memref<4x655360xf32, #tpu.memory_space<hbm>> -> memref<4x20480xf32, #tpu.memory_space<hbm>>
      tpu.enqueue_dma source(%arg7 : memref<4x20480xf32, #tpu.memory_space<vmem>>) target(%dma_start3A_26 : memref<4x20480xf32, #tpu.memory_space<hbm>>) target_semaphore(%run_scoped3A : memref<!tpu.dma_semaphore, #tpu.memory_space<semaphore_mem>>)
      %dma_wait3A = arith.constant 0 : i32
      %dma_wait3A_27 = tpu.memref_slice %arg4[%dma_wait3A, %mul3A_18] : memref<4x655360xf32, #tpu.memory_space<hbm>> -> memref<4x20480xf32, #tpu.memory_space<hbm>>
      %dma_wait3A_28 = arith.constant 0 : i32
      %dma_wait3A_29 = tpu.memref_slice %arg4[%dma_wait3A_28, %mul3A_18] : memref<4x655360xf32, #tpu.memory_space<hbm>> -> memref<4x20480xf32, #tpu.memory_space<hbm>>
      tpu.wait_dma2 semaphore(%run_scoped3A : memref<!tpu.dma_semaphore, #tpu.memory_space<semaphore_mem>>) src(%arg7 : memref<4x20480xf32, #tpu.memory_space<vmem>>) dst(%dma_wait3A_29 : memref<4x20480xf32, #tpu.memory_space<hbm>>)
      tpu.yield
    }) : () -> ()
    return
  }
}

module attributes {stable_mosaic.version = 14 : i64} {
  func.func @body(%arg0: i32, %arg1: memref<4x20480xf32, #tpu.memory_space<vmem>>, %arg2: memref<1x3x1024xf32, #tpu.memory_space<vmem>>, %arg3: memref<64x6xf32, #tpu.memory_space<vmem>>, %arg4: memref<64x1xf32, #tpu.memory_space<vmem>>, %arg5: memref<1x2x64xf32, #tpu.memory_space<vmem>>) attributes {dimension_semantics = [#tpu.dimension_semantics<arbitrary>], iteration_bounds = array<i64: 32>, scalar_prefetch = 0 : i64, scratch_operands = 0 : i64, tpu.core_type = #tpu.core_type<tc>, window_params = [{transform_indices = @transform_0, window_bounds = array<i64: 4, 20480>}, {transform_indices = @transform_1, window_bounds = array<i64: 1, 3, 1024>}, {pipeline_mode = #tpu.pipeline_mode<synchronous>, transform_indices = @transform_2, window_bounds = array<i64: 64, 6>}, {pipeline_mode = #tpu.pipeline_mode<synchronous>, transform_indices = @transform_3, window_bounds = array<i64: 64, 1>}, {transform_indices = @transform_4, window_bounds = array<i64: 1, 2, 64>}]} {
    %get3A = arith.constant 0 : index
    %get3A_0 = arith.constant 0 : index
    %get3A_1 = arith.constant 0 : index
    %get3A_2 = vector.load %arg2[%get3A, %get3A_0, %get3A_1] : memref<1x3x1024xf32, #tpu.memory_space<vmem>>, vector<1x3x1024xf32>
    %get3A_3 = vector.shape_cast %get3A_2 : vector<1x3x1024xf32> to vector<3x1024xf32>
    %broadcast_in_dim3A = vector.shape_cast %get3A_3 : vector<3x1024xf32> to vector<3x1x1024xf32>
    %broadcast_in_dim3A_4 = vector.shape_cast %broadcast_in_dim3A : vector<3x1x1024xf32> to vector<3x1x1024xf32>
    %broadcast_in_dim3A_5 = vector.broadcast %broadcast_in_dim3A_4 : vector<3x1x1024xf32> to vector<3x20x1024xf32>
    %reshape3A = vector.shape_cast %broadcast_in_dim3A_5 : vector<3x20x1024xf32> to vector<3x20480xf32>
    %get3A_6 = arith.constant 0 : index
    %get3A_7 = arith.constant 0 : index
    %get3A_8 = vector.load %arg1[%get3A_6, %get3A_7] : memref<4x20480xf32, #tpu.memory_space<vmem>>, vector<3x20480xf32>
    %sub3A = arith.subf %get3A_8, %reshape3A : vector<3x20480xf32>
    %concatenate3A = tpu.concatenate %reshape3A, %sub3A in 0 : vector<3x20480xf32>, vector<3x20480xf32> -> vector<6x20480xf32>
    %get3A_9 = arith.constant 0 : index
    %get3A_10 = arith.constant 0 : index
    %get3A_11 = vector.load %arg3[%get3A_9, %get3A_10] : memref<64x6xf32, #tpu.memory_space<vmem>>, vector<64x6xf32>
    %dot_general3A = arith.constant dense<0.000000e+00> : vector<64x20480xf32>
    %dot_general3A_12 = tpu.matmul %get3A_11, %concatenate3A, %dot_general3A {dimension_numbers = #tpu.dot_dimension_numbers<[1], [0], [0], [1], [0, 0, 1, 1], [], []>, transpose_lhs_hint = false} : vector<64x6xf32>, vector<6x20480xf32>, vector<64x20480xf32> -> vector<64x20480xf32>
    %get3A_13 = arith.constant 0 : index
    %get3A_14 = arith.constant 0 : index
    %get3A_15 = vector.load %arg4[%get3A_13, %get3A_14] : memref<64x1xf32, #tpu.memory_space<vmem>>, vector<64x1xf32>
    %add3A = vector.broadcast %get3A_15 : vector<64x1xf32> to vector<64x20480xf32>
    %add3A_16 = arith.addf %dot_general3A_12, %add3A : vector<64x20480xf32>
    %reduce_sum3A = arith.constant dense<0.000000e+00> : vector<64xf32>
    %reduce_sum3A_17 = vector.multi_reduction <add>, %add3A_16, %reduce_sum3A [1] : vector<64x20480xf32> to vector<64xf32>
    %swap3A = arith.constant 0 : index
    %swap3A_18 = arith.constant 0 : index
    %swap3A_19 = arith.constant 0 : index
    %swap3A_20 = vector.load %arg5[%swap3A, %swap3A_18, %swap3A_19] : memref<1x2x64xf32, #tpu.memory_space<vmem>>, vector<1x1x64xf32>
    %swap3A_21 = vector.shape_cast %swap3A_20 : vector<1x1x64xf32> to vector<64xf32>
    %swap3A_22 = vector.shape_cast %reduce_sum3A_17 : vector<64xf32> to vector<1x1x64xf32>
    tpu.vector_store %arg5[%swap3A, %swap3A_18, %swap3A_19], %swap3A_22 {strides = array<i32>} : memref<1x2x64xf32, #tpu.memory_space<vmem>>, vector<1x1x64xf32>,
    %mul3A = arith.mulf %add3A_16, %add3A_16 : vector<64x20480xf32>
    %reduce_sum3A_23 = arith.constant dense<0.000000e+00> : vector<64xf32>
    %reduce_sum3A_24 = vector.multi_reduction <add>, %mul3A, %reduce_sum3A_23 [1] : vector<64x20480xf32> to vector<64xf32>
    %swap3A_25 = arith.constant 0 : index
    %swap3A_26 = arith.constant 1 : index
    %swap3A_27 = arith.constant 0 : index
    %swap3A_28 = vector.load %arg5[%swap3A_25, %swap3A_26, %swap3A_27] : memref<1x2x64xf32, #tpu.memory_space<vmem>>, vector<1x1x64xf32>
    %swap3A_29 = vector.shape_cast %swap3A_28 : vector<1x1x64xf32> to vector<64xf32>
    %swap3A_30 = vector.shape_cast %reduce_sum3A_24 : vector<64xf32> to vector<1x1x64xf32>
    tpu.vector_store %arg5[%swap3A_25, %swap3A_26, %swap3A_27], %swap3A_30 {strides = array<i32>} : memref<1x2x64xf32, #tpu.memory_space<vmem>>, vector<1x1x64xf32>,
    return
  }
  func.func @transform_0(%arg0: i32) -> (i32, i32) {
    %c0_i32 = arith.constant 0 : i32
    %c0_i32_0 = arith.constant 0 : i32
    return %c0_i32, %arg0 : i32, i32
  }
  func.func @transform_1(%arg0: i32) -> (i32, i32, i32) {
    %c0_i32 = arith.constant 0 : i32
    %c0_i32_0 = arith.constant 0 : i32
    %c0_i32_1 = arith.constant 0 : i32
    return %arg0, %c0_i32, %c0_i32_0 : i32, i32, i32
  }
  func.func @transform_2(%arg0: i32) -> (i32, i32) {
    %c0_i32 = arith.constant 0 : i32
    %c0_i32_0 = arith.constant 0 : i32
    %c0_i32_1 = arith.constant 0 : i32
    return %c0_i32, %c0_i32_0 : i32, i32
  }
  func.func @transform_3(%arg0: i32) -> (i32, i32) {
    %c0_i32 = arith.constant 0 : i32
    %c0_i32_0 = arith.constant 0 : i32
    %c0_i32_1 = arith.constant 0 : i32
    return %c0_i32, %c0_i32_0 : i32, i32
  }
  func.func @transform_4(%arg0: i32) -> (i32, i32, i32) {
    %c0_i32 = arith.constant 0 : i32
    %c0_i32_0 = arith.constant 0 : i32
    %c0_i32_1 = arith.constant 0 : i32
    return %arg0, %c0_i32, %c0_i32_0 : i32, i32, i32
  }
}

module attributes {stable_mosaic.version = 14 : i64} {
  func.func @body(%arg0: i32, %arg1: memref<4x20480xf32, #tpu.memory_space<vmem>>, %arg2: memref<1x3x1024xf32, #tpu.memory_space<vmem>>, %arg3: memref<64x6xf32, #tpu.memory_space<vmem>>, %arg4: memref<64x1xf32, #tpu.memory_space<vmem>>, %arg5: memref<1x4x64xf32, #tpu.memory_space<vmem>>, %arg6: memref<64x64xf32, #tpu.memory_space<vmem>>, %arg7: memref<64x1xf32, #tpu.memory_space<vmem>>, %arg8: memref<1x64x1024xf32, #tpu.memory_space<vmem>>) attributes {dimension_semantics = [#tpu.dimension_semantics<arbitrary>], iteration_bounds = array<i64: 32>, scalar_prefetch = 0 : i64, scratch_operands = 0 : i64, tpu.core_type = #tpu.core_type<tc>, window_params = [{transform_indices = @transform_0, window_bounds = array<i64: 4, 20480>}, {transform_indices = @transform_1, window_bounds = array<i64: 1, 3, 1024>}, {pipeline_mode = #tpu.pipeline_mode<synchronous>, transform_indices = @transform_2, window_bounds = array<i64: 64, 6>}, {pipeline_mode = #tpu.pipeline_mode<synchronous>, transform_indices = @transform_3, window_bounds = array<i64: 64, 1>}, {transform_indices = @transform_4, window_bounds = array<i64: 1, 4, 64>}, {pipeline_mode = #tpu.pipeline_mode<synchronous>, transform_indices = @transform_5, window_bounds = array<i64: 64, 64>}, {pipeline_mode = #tpu.pipeline_mode<synchronous>, transform_indices = @transform_6, window_bounds = array<i64: 64, 1>}, {transform_indices = @transform_7, window_bounds = array<i64: 1, 64, 1024>}]} {
    %get3A = arith.constant 0 : index
    %get3A_0 = arith.constant 0 : index
    %get3A_1 = arith.constant 0 : index
    %get3A_2 = vector.load %arg2[%get3A, %get3A_0, %get3A_1] : memref<1x3x1024xf32, #tpu.memory_space<vmem>>, vector<1x3x1024xf32>
    %get3A_3 = vector.shape_cast %get3A_2 : vector<1x3x1024xf32> to vector<3x1024xf32>
    %broadcast_in_dim3A = vector.shape_cast %get3A_3 : vector<3x1024xf32> to vector<3x1x1024xf32>
    %broadcast_in_dim3A_4 = vector.shape_cast %broadcast_in_dim3A : vector<3x1x1024xf32> to vector<3x1x1024xf32>
    %broadcast_in_dim3A_5 = vector.broadcast %broadcast_in_dim3A_4 : vector<3x1x1024xf32> to vector<3x20x1024xf32>
    %reshape3A = vector.shape_cast %broadcast_in_dim3A_5 : vector<3x20x1024xf32> to vector<3x20480xf32>
    %get3A_6 = arith.constant 0 : index
    %get3A_7 = arith.constant 0 : index
    %get3A_8 = vector.load %arg1[%get3A_6, %get3A_7] : memref<4x20480xf32, #tpu.memory_space<vmem>>, vector<3x20480xf32>
    %sub3A = arith.subf %get3A_8, %reshape3A : vector<3x20480xf32>
    %concatenate3A = tpu.concatenate %reshape3A, %sub3A in 0 : vector<3x20480xf32>, vector<3x20480xf32> -> vector<6x20480xf32>
    %get3A_9 = arith.constant 0 : index
    %get3A_10 = arith.constant 0 : index
    %get3A_11 = vector.load %arg3[%get3A_9, %get3A_10] : memref<64x6xf32, #tpu.memory_space<vmem>>, vector<64x6xf32>
    %dot_general3A = arith.constant dense<0.000000e+00> : vector<64x20480xf32>
    %dot_general3A_12 = tpu.matmul %get3A_11, %concatenate3A, %dot_general3A {dimension_numbers = #tpu.dot_dimension_numbers<[1], [0], [0], [1], [0, 0, 1, 1], [], []>, transpose_lhs_hint = false} : vector<64x6xf32>, vector<6x20480xf32>, vector<64x20480xf32> -> vector<64x20480xf32>
    %get3A_13 = arith.constant 0 : index
    %get3A_14 = arith.constant 0 : index
    %get3A_15 = vector.load %arg4[%get3A_13, %get3A_14] : memref<64x1xf32, #tpu.memory_space<vmem>>, vector<64x1xf32>
    %add3A = vector.broadcast %get3A_15 : vector<64x1xf32> to vector<64x20480xf32>
    %add3A_16 = arith.addf %dot_general3A_12, %add3A : vector<64x20480xf32>
    %get3A_17 = arith.constant 0 : index
    %get3A_18 = arith.constant 0 : index
    %get3A_19 = arith.constant 0 : index
    %get3A_20 = vector.load %arg5[%get3A_17, %get3A_18, %get3A_19] : memref<1x4x64xf32, #tpu.memory_space<vmem>>, vector<1x1x64xf32>
    %get3A_21 = vector.shape_cast %get3A_20 : vector<1x1x64xf32> to vector<64xf32>
    %reshape3A_22 = vector.shape_cast %get3A_21 : vector<64xf32> to vector<64x1xf32>
    %get3A_23 = arith.constant 0 : index
    %get3A_24 = arith.constant 1 : index
    %get3A_25 = arith.constant 0 : index
    %get3A_26 = vector.load %arg5[%get3A_23, %get3A_24, %get3A_25] : memref<1x4x64xf32, #tpu.memory_space<vmem>>, vector<1x1x64xf32>
    %get3A_27 = vector.shape_cast %get3A_26 : vector<1x1x64xf32> to vector<64xf32>
    %reshape3A_28 = vector.shape_cast %get3A_27 : vector<64xf32> to vector<64x1xf32>
    %get3A_29 = arith.constant 0 : index
    %get3A_30 = arith.constant 2 : index
    %get3A_31 = arith.constant 0 : index
    %get3A_32 = vector.load %arg5[%get3A_29, %get3A_30, %get3A_31] : memref<1x4x64xf32, #tpu.memory_space<vmem>>, vector<1x1x64xf32>
    %get3A_33 = vector.shape_cast %get3A_32 : vector<1x1x64xf32> to vector<64xf32>
    %reshape3A_34 = vector.shape_cast %get3A_33 : vector<64xf32> to vector<64x1xf32>
    %get3A_35 = arith.constant 0 : index
    %get3A_36 = arith.constant 3 : index
    %get3A_37 = arith.constant 0 : index
    %get3A_38 = vector.load %arg5[%get3A_35, %get3A_36, %get3A_37] : memref<1x4x64xf32, #tpu.memory_space<vmem>>, vector<1x1x64xf32>
    %get3A_39 = vector.shape_cast %get3A_38 : vector<1x1x64xf32> to vector<64xf32>
    %reshape3A_40 = vector.shape_cast %get3A_39 : vector<64xf32> to vector<64x1xf32>
    %sub3A_41 = vector.broadcast %reshape3A_22 : vector<64x1xf32> to vector<64x20480xf32>
    %sub3A_42 = arith.subf %add3A_16, %sub3A_41 : vector<64x20480xf32>
    %div3A = vector.broadcast %reshape3A_28 : vector<64x1xf32> to vector<64x20480xf32>
    %div3A_43 = arith.divf %sub3A_42, %div3A : vector<64x20480xf32>
    %mul3A = vector.broadcast %reshape3A_34 : vector<64x1xf32> to vector<64x20480xf32>
    %mul3A_44 = arith.mulf %div3A_43, %mul3A : vector<64x20480xf32>
    %add3A_45 = vector.broadcast %reshape3A_40 : vector<64x1xf32> to vector<64x20480xf32>
    %add3A_46 = arith.addf %mul3A_44, %add3A_45 : vector<64x20480xf32>
    %max3A = arith.constant 0.000000e+00 : f32
    %max3A_47 = vector.broadcast %max3A : f32 to vector<64x20480xf32>
    %max3A_48 = arith.maximumf %add3A_46, %max3A_47 : vector<64x20480xf32>
    %get3A_49 = arith.constant 0 : index
    %get3A_50 = arith.constant 0 : index
    %get3A_51 = vector.load %arg6[%get3A_49, %get3A_50] : memref<64x64xf32, #tpu.memory_space<vmem>>, vector<64x64xf32>
    %dot_general3A_52 = arith.constant dense<0.000000e+00> : vector<64x20480xf32>
    %dot_general3A_53 = tpu.matmul %get3A_51, %max3A_48, %dot_general3A_52 {dimension_numbers = #tpu.dot_dimension_numbers<[1], [0], [0], [1], [0, 0, 1, 1], [], []>, transpose_lhs_hint = false} : vector<64x64xf32>, vector<64x20480xf32>, vector<64x20480xf32> -> vector<64x20480xf32>
    %get3A_54 = arith.constant 0 : index
    %get3A_55 = arith.constant 0 : index
    %get3A_56 = vector.load %arg7[%get3A_54, %get3A_55] : memref<64x1xf32, #tpu.memory_space<vmem>>, vector<64x1xf32>
    %add3A_57 = vector.broadcast %get3A_56 : vector<64x1xf32> to vector<64x20480xf32>
    %add3A_58 = arith.addf %dot_general3A_53, %add3A_57 : vector<64x20480xf32>
    %reshape3A_59 = vector.shape_cast %add3A_58 : vector<64x20480xf32> to vector<64x20x1024xf32>
    %reduce_max3A = arith.constant dense<0xFF800000> : vector<64x1024xf32>
    %reduce_max3A_60 = vector.multi_reduction <maximumf>, %reshape3A_59, %reduce_max3A [1] : vector<64x20x1024xf32> to vector<64x1024xf32>
    %swap3A = arith.constant 0 : index
    %swap3A_61 = arith.constant 0 : index
    %swap3A_62 = arith.constant 0 : index
    %swap3A_63 = vector.load %arg8[%swap3A, %swap3A_61, %swap3A_62] : memref<1x64x1024xf32, #tpu.memory_space<vmem>>, vector<1x64x1024xf32>
    %swap3A_64 = vector.shape_cast %swap3A_63 : vector<1x64x1024xf32> to vector<64x1024xf32>
    %swap3A_65 = vector.shape_cast %reduce_max3A_60 : vector<64x1024xf32> to vector<1x64x1024xf32>
    tpu.vector_store %arg8[%swap3A, %swap3A_61, %swap3A_62], %swap3A_65 {strides = array<i32>} : memref<1x64x1024xf32, #tpu.memory_space<vmem>>, vector<1x64x1024xf32>,
    return
  }
  func.func @transform_0(%arg0: i32) -> (i32, i32) {
    %c0_i32 = arith.constant 0 : i32
    %c0_i32_0 = arith.constant 0 : i32
    return %c0_i32, %arg0 : i32, i32
  }
  func.func @transform_1(%arg0: i32) -> (i32, i32, i32) {
    %c0_i32 = arith.constant 0 : i32
    %c0_i32_0 = arith.constant 0 : i32
    %c0_i32_1 = arith.constant 0 : i32
    return %arg0, %c0_i32, %c0_i32_0 : i32, i32, i32
  }
  func.func @transform_2(%arg0: i32) -> (i32, i32) {
    %c0_i32 = arith.constant 0 : i32
    %c0_i32_0 = arith.constant 0 : i32
    %c0_i32_1 = arith.constant 0 : i32
    return %c0_i32, %c0_i32_0 : i32, i32
  }
  func.func @transform_3(%arg0: i32) -> (i32, i32) {
    %c0_i32 = arith.constant 0 : i32
    %c0_i32_0 = arith.constant 0 : i32
    %c0_i32_1 = arith.constant 0 : i32
    return %c0_i32, %c0_i32_0 : i32, i32
  }
  func.func @transform_4(%arg0: i32) -> (i32, i32, i32) {
    %jit3A = arith.constant 16 : i32
    %div3A = arith.divsi %arg0, %jit3A : i32
    %sign3A = arith.constant 0 : i32
    %sign3A_0 = arith.cmpi sgt, %arg0, %sign3A : i32
    %sign3A_1 = arith.extui %sign3A_0 : i1 to i32
    %sign3A_2 = arith.constant 0 : i32
    %sign3A_3 = arith.cmpi slt, %arg0, %sign3A_2 : i32
    %sign3A_4 = arith.extui %sign3A_3 : i1 to i32
    %sign3A_5 = arith.subi %sign3A_1, %sign3A_4 : i32
    %sign3A_6 = arith.constant 0 : i32
    %sign3A_7 = arith.cmpi sgt, %jit3A, %sign3A_6 : i32
    %sign3A_8 = arith.extui %sign3A_7 : i1 to i32
    %sign3A_9 = arith.constant 0 : i32
    %sign3A_10 = arith.cmpi slt, %jit3A, %sign3A_9 : i32
    %sign3A_11 = arith.extui %sign3A_10 : i1 to i32
    %sign3A_12 = arith.subi %sign3A_8, %sign3A_11 : i32
    %ne3A = arith.cmpi ne, %sign3A_5, %sign3A_12 : i32
    %rem3A = arith.remsi %arg0, %jit3A : i32
    %ne3A_13 = arith.constant 0 : i32
    %ne3A_14 = arith.cmpi ne, %rem3A, %ne3A_13 : i32
    %and3A = arith.andi %ne3A, %ne3A_14 : i1
    %sub3A = arith.constant 1 : i32
    %sub3A_15 = arith.subi %div3A, %sub3A : i32
    %select_n3A = arith.select %and3A, %sub3A_15, %div3A : i32
    %c0_i32 = arith.constant 0 : i32
    %c0_i32_16 = arith.constant 0 : i32
    %c0_i32_17 = arith.constant 0 : i32
    return %select_n3A, %c0_i32, %c0_i32_16 : i32, i32, i32
  }
  func.func @transform_5(%arg0: i32) -> (i32, i32) {
    %c0_i32 = arith.constant 0 : i32
    %c0_i32_0 = arith.constant 0 : i32
    %c0_i32_1 = arith.constant 0 : i32
    return %c0_i32, %c0_i32_0 : i32, i32
  }
  func.func @transform_6(%arg0: i32) -> (i32, i32) {
    %c0_i32 = arith.constant 0 : i32
    %c0_i32_0 = arith.constant 0 : i32
    %c0_i32_1 = arith.constant 0 : i32
    return %c0_i32, %c0_i32_0 : i32, i32
  }
  func.func @transform_7(%arg0: i32) -> (i32, i32, i32) {
    %c0_i32 = arith.constant 0 : i32
    %c0_i32_0 = arith.constant 0 : i32
    %c0_i32_1 = arith.constant 0 : i32
    return %arg0, %c0_i32, %c0_i32_0 : i32, i32, i32
  }
}

module attributes {stable_mosaic.version = 14 : i64} {
  func.func @body(%arg0: i32, %arg1: memref<1x1024x64xf32, #tpu.memory_space<vmem>>, %arg2: memref<64x128xf32, #tpu.memory_space<vmem>>, %arg3: memref<1x1024x128xf32, #tpu.memory_space<vmem>>) attributes {dimension_semantics = [#tpu.dimension_semantics<arbitrary>], iteration_bounds = array<i64: 32>, scalar_prefetch = 0 : i64, scratch_operands = 0 : i64, tpu.core_type = #tpu.core_type<tc>, window_params = [{transform_indices = @transform_0, window_bounds = array<i64: 1, 1024, 64>}, {pipeline_mode = #tpu.pipeline_mode<synchronous>, transform_indices = @transform_1, window_bounds = array<i64: 64, 128>}, {transform_indices = @transform_2, window_bounds = array<i64: 1, 1024, 128>}]} {
    %get3A = arith.constant 0 : index
    %get3A_0 = arith.constant 0 : index
    %get3A_1 = arith.constant 0 : index
    %get3A_2 = vector.load %arg1[%get3A, %get3A_0, %get3A_1] : memref<1x1024x64xf32, #tpu.memory_space<vmem>>, vector<1x1024x64xf32>
    %get3A_3 = vector.shape_cast %get3A_2 : vector<1x1024x64xf32> to vector<1024x64xf32>
    %get3A_4 = arith.constant 0 : index
    %get3A_5 = arith.constant 0 : index
    %get3A_6 = vector.load %arg2[%get3A_4, %get3A_5] : memref<64x128xf32, #tpu.memory_space<vmem>>, vector<64x128xf32>
    %dot_general3A = arith.constant dense<0.000000e+00> : vector<1024x128xf32>
    %dot_general3A_7 = tpu.matmul %get3A_3, %get3A_6, %dot_general3A {dimension_numbers = #tpu.dot_dimension_numbers<[1], [0], [0], [1], [0, 0, 1, 1], [], []>, transpose_lhs_hint = false} : vector<1024x64xf32>, vector<64x128xf32>, vector<1024x128xf32> -> vector<1024x128xf32>
    %swap3A = arith.constant 0 : index
    %swap3A_8 = arith.constant 0 : index
    %swap3A_9 = arith.constant 0 : index
    %swap3A_10 = vector.load %arg3[%swap3A, %swap3A_8, %swap3A_9] : memref<1x1024x128xf32, #tpu.memory_space<vmem>>, vector<1x1024x128xf32>
    %swap3A_11 = vector.shape_cast %swap3A_10 : vector<1x1024x128xf32> to vector<1024x128xf32>
    %swap3A_12 = vector.shape_cast %dot_general3A_7 : vector<1024x128xf32> to vector<1x1024x128xf32>
    tpu.vector_store %arg3[%swap3A, %swap3A_8, %swap3A_9], %swap3A_12 {strides = array<i32>} : memref<1x1024x128xf32, #tpu.memory_space<vmem>>, vector<1x1024x128xf32>,
    return
  }
  func.func @transform_0(%arg0: i32) -> (i32, i32, i32) {
    %c0_i32 = arith.constant 0 : i32
    %c0_i32_0 = arith.constant 0 : i32
    %c0_i32_1 = arith.constant 0 : i32
    return %arg0, %c0_i32, %c0_i32_0 : i32, i32, i32
  }
  func.func @transform_1(%arg0: i32) -> (i32, i32) {
    %c0_i32 = arith.constant 0 : i32
    %c0_i32_0 = arith.constant 0 : i32
    %c0_i32_1 = arith.constant 0 : i32
    return %c0_i32, %c0_i32_0 : i32, i32
  }
  func.func @transform_2(%arg0: i32) -> (i32, i32, i32) {
    %c0_i32 = arith.constant 0 : i32
    %c0_i32_0 = arith.constant 0 : i32
    %c0_i32_1 = arith.constant 0 : i32
    return %arg0, %c0_i32, %c0_i32_0 : i32, i32, i32
  }
}

module attributes {stable_mosaic.version = 14 : i64} {
  func.func @body(%arg0: i32, %arg1: memref<1x1024x64xf32, #tpu.memory_space<vmem>>, %arg2: memref<20480x128xf32, #tpu.memory_space<vmem>>, %arg3: memref<64x128xf32, #tpu.memory_space<vmem>>, %arg4: memref<1x128xf32, #tpu.memory_space<vmem>>, %arg5: memref<192x128xf32, #tpu.memory_space<vmem>>, %arg6: memref<1x128xf32, #tpu.memory_space<vmem>>, %arg7: memref<1x1x128xf32, #tpu.memory_space<vmem>>) attributes {dimension_semantics = [#tpu.dimension_semantics<arbitrary>], iteration_bounds = array<i64: 32>, scalar_prefetch = 0 : i64, scratch_operands = 0 : i64, tpu.core_type = #tpu.core_type<tc>, window_params = [{transform_indices = @transform_0, window_bounds = array<i64: 1, 1024, 64>}, {transform_indices = @transform_1, window_bounds = array<i64: 20480, 128>}, {pipeline_mode = #tpu.pipeline_mode<synchronous>, transform_indices = @transform_2, window_bounds = array<i64: 64, 128>}, {pipeline_mode = #tpu.pipeline_mode<synchronous>, transform_indices = @transform_3, window_bounds = array<i64: 1, 128>}, {pipeline_mode = #tpu.pipeline_mode<synchronous>, transform_indices = @transform_4, window_bounds = array<i64: 192, 128>}, {pipeline_mode = #tpu.pipeline_mode<synchronous>, transform_indices = @transform_5, window_bounds = array<i64: 1, 128>}, {transform_indices = @transform_6, window_bounds = array<i64: 1, 1, 128>}]} {
    %get3A = arith.constant 0 : index
    %get3A_0 = arith.constant 0 : index
    %get3A_1 = arith.constant 0 : index
    %get3A_2 = vector.load %arg1[%get3A, %get3A_0, %get3A_1] : memref<1x1024x64xf32, #tpu.memory_space<vmem>>, vector<1x1024x64xf32>
    %get3A_3 = vector.shape_cast %get3A_2 : vector<1x1024x64xf32> to vector<1024x64xf32>
    %get3A_4 = arith.constant 0 : index
    %get3A_5 = arith.constant 0 : index
    %get3A_6 = vector.load %arg3[%get3A_4, %get3A_5] : memref<64x128xf32, #tpu.memory_space<vmem>>, vector<64x128xf32>
    %dot_general3A = arith.constant dense<0.000000e+00> : vector<1024x128xf32>
    %dot_general3A_7 = tpu.matmul %get3A_3, %get3A_6, %dot_general3A {dimension_numbers = #tpu.dot_dimension_numbers<[1], [0], [0], [1], [0, 0, 1, 1], [], []>, transpose_lhs_hint = false} : vector<1024x64xf32>, vector<64x128xf32>, vector<1024x128xf32> -> vector<1024x128xf32>
    %get3A_8 = arith.constant 0 : index
    %get3A_9 = arith.constant 0 : index
    %get3A_10 = vector.load %arg4[%get3A_8, %get3A_9] : memref<1x128xf32, #tpu.memory_space<vmem>>, vector<1x128xf32>
    %add3A = vector.broadcast %get3A_10 : vector<1x128xf32> to vector<1024x128xf32>
    %add3A_11 = arith.addf %dot_general3A_7, %add3A : vector<1024x128xf32>
    %get3A_12 = arith.constant 0 : index
    %get3A_13 = arith.constant 0 : index
    %get3A_14 = vector.load %arg2[%get3A_12, %get3A_13] : memref<20480x128xf32, #tpu.memory_space<vmem>>, vector<20480x128xf32>
    %reshape3A = vector.shape_cast %get3A_14 : vector<20480x128xf32> to vector<1024x20x128xf32>
    %reduce_max3A = arith.constant dense<0xFF800000> : vector<1024x128xf32>
    %reduce_max3A_15 = vector.multi_reduction <maximumf>, %reshape3A, %reduce_max3A [1] : vector<1024x20x128xf32> to vector<1024x128xf32>
    %add3A_16 = arith.addf %add3A_11, %reduce_max3A_15 : vector<1024x128xf32>
    %concatenate3A = tpu.concatenate %get3A_3, %add3A_16 in 1 : vector<1024x64xf32>, vector<1024x128xf32> -> vector<1024x192xf32>
    %get3A_17 = arith.constant 0 : index
    %get3A_18 = arith.constant 0 : index
    %get3A_19 = vector.load %arg5[%get3A_17, %get3A_18] : memref<192x128xf32, #tpu.memory_space<vmem>>, vector<192x128xf32>
    %dot_general3A_20 = arith.constant dense<0.000000e+00> : vector<1024x128xf32>
    %dot_general3A_21 = tpu.matmul %concatenate3A, %get3A_19, %dot_general3A_20 {dimension_numbers = #tpu.dot_dimension_numbers<[1], [0], [0], [1], [0, 0, 1, 1], [], []>, transpose_lhs_hint = false} : vector<1024x192xf32>, vector<192x128xf32>, vector<1024x128xf32> -> vector<1024x128xf32>
    %get3A_22 = arith.constant 0 : index
    %get3A_23 = arith.constant 0 : index
    %get3A_24 = vector.load %arg6[%get3A_22, %get3A_23] : memref<1x128xf32, #tpu.memory_space<vmem>>, vector<1x128xf32>
    %add3A_25 = vector.broadcast %get3A_24 : vector<1x128xf32> to vector<1024x128xf32>
    %add3A_26 = arith.addf %dot_general3A_21, %add3A_25 : vector<1024x128xf32>
    %reduce_max3A_27 = arith.constant dense<0xFF800000> : vector<128xf32>
    %reduce_max3A_28 = vector.multi_reduction <maximumf>, %add3A_26, %reduce_max3A_27 [0] : vector<1024x128xf32> to vector<128xf32>
    %broadcast_in_dim3A = vector.shape_cast %reduce_max3A_28 : vector<128xf32> to vector<1x128xf32>
    %swap3A = arith.constant 0 : index
    %swap3A_29 = arith.constant 0 : index
    %swap3A_30 = arith.constant 0 : index
    %swap3A_31 = vector.load %arg7[%swap3A, %swap3A_29, %swap3A_30] : memref<1x1x128xf32, #tpu.memory_space<vmem>>, vector<1x1x128xf32>
    %swap3A_32 = vector.shape_cast %swap3A_31 : vector<1x1x128xf32> to vector<1x128xf32>
    %swap3A_33 = vector.shape_cast %broadcast_in_dim3A : vector<1x128xf32> to vector<1x1x128xf32>
    tpu.vector_store %arg7[%swap3A, %swap3A_29, %swap3A_30], %swap3A_33 {strides = array<i32>} : memref<1x1x128xf32, #tpu.memory_space<vmem>>, vector<1x1x128xf32>,
    return
  }
  func.func @transform_0(%arg0: i32) -> (i32, i32, i32) {
    %c0_i32 = arith.constant 0 : i32
    %c0_i32_0 = arith.constant 0 : i32
    %c0_i32_1 = arith.constant 0 : i32
    return %arg0, %c0_i32, %c0_i32_0 : i32, i32, i32
  }
  func.func @transform_1(%arg0: i32) -> (i32, i32) {
    %c0_i32 = arith.constant 0 : i32
    %c0_i32_0 = arith.constant 0 : i32
    return %arg0, %c0_i32 : i32, i32
  }
  func.func @transform_2(%arg0: i32) -> (i32, i32) {
    %c0_i32 = arith.constant 0 : i32
    %c0_i32_0 = arith.constant 0 : i32
    %c0_i32_1 = arith.constant 0 : i32
    return %c0_i32, %c0_i32_0 : i32, i32
  }
  func.func @transform_3(%arg0: i32) -> (i32, i32) {
    %c0_i32 = arith.constant 0 : i32
    %c0_i32_0 = arith.constant 0 : i32
    %c0_i32_1 = arith.constant 0 : i32
    return %c0_i32, %c0_i32_0 : i32, i32
  }
  func.func @transform_4(%arg0: i32) -> (i32, i32) {
    %c0_i32 = arith.constant 0 : i32
    %c0_i32_0 = arith.constant 0 : i32
    %c0_i32_1 = arith.constant 0 : i32
    return %c0_i32, %c0_i32_0 : i32, i32
  }
  func.func @transform_5(%arg0: i32) -> (i32, i32) {
    %c0_i32 = arith.constant 0 : i32
    %c0_i32_0 = arith.constant 0 : i32
    %c0_i32_1 = arith.constant 0 : i32
    return %c0_i32, %c0_i32_0 : i32, i32
  }
  func.func @transform_6(%arg0: i32) -> (i32, i32, i32) {
    %c0_i32 = arith.constant 0 : i32
    %c0_i32_0 = arith.constant 0 : i32
    %c0_i32_1 = arith.constant 0 : i32
    return %arg0, %c0_i32, %c0_i32_0 : i32, i32, i32
  }
}

module attributes {stable_mosaic.version = 14 : i64} {
  func.func @body(%arg0: memref<32x128xf32, #tpu.memory_space<vmem>>, %arg1: memref<128x256xf32, #tpu.memory_space<vmem>>, %arg2: memref<1x256xf32, #tpu.memory_space<vmem>>, %arg3: memref<256x32xf32, #tpu.memory_space<vmem>>, %arg4: memref<1x32xf32, #tpu.memory_space<vmem>>, %arg5: memref<32x32xf32, #tpu.memory_space<vmem>>) attributes {dimension_semantics = [], scalar_prefetch = 0 : i64, scratch_operands = 0 : i64, tpu.core_type = #tpu.core_type<tc>} {
    %get3A = arith.constant 0 : index
    %get3A_0 = arith.constant 0 : index
    %get3A_1 = vector.load %arg0[%get3A, %get3A_0] : memref<32x128xf32, #tpu.memory_space<vmem>>, vector<32x128xf32>
    %get3A_2 = arith.constant 0 : index
    %get3A_3 = arith.constant 0 : index
    %get3A_4 = vector.load %arg1[%get3A_2, %get3A_3] : memref<128x256xf32, #tpu.memory_space<vmem>>, vector<128x256xf32>
    %dot_general3A = arith.constant dense<0.000000e+00> : vector<32x256xf32>
    %dot_general3A_5 = tpu.matmul %get3A_1, %get3A_4, %dot_general3A {dimension_numbers = #tpu.dot_dimension_numbers<[1], [0], [0], [1], [0, 0, 1, 1], [], []>, transpose_lhs_hint = false} : vector<32x128xf32>, vector<128x256xf32>, vector<32x256xf32> -> vector<32x256xf32>
    %get3A_6 = arith.constant 0 : index
    %get3A_7 = arith.constant 0 : index
    %get3A_8 = vector.load %arg2[%get3A_6, %get3A_7] : memref<1x256xf32, #tpu.memory_space<vmem>>, vector<1x256xf32>
    %add3A = vector.broadcast %get3A_8 : vector<1x256xf32> to vector<32x256xf32>
    %add3A_9 = arith.addf %dot_general3A_5, %add3A : vector<32x256xf32>
    %max3A = arith.constant 0.000000e+00 : f32
    %max3A_10 = vector.broadcast %max3A : f32 to vector<32x256xf32>
    %max3A_11 = arith.maximumf %add3A_9, %max3A_10 : vector<32x256xf32>
    %get3A_12 = arith.constant 0 : index
    %get3A_13 = arith.constant 0 : index
    %get3A_14 = vector.load %arg3[%get3A_12, %get3A_13] : memref<256x32xf32, #tpu.memory_space<vmem>>, vector<256x32xf32>
    %dot_general3A_15 = arith.constant dense<0.000000e+00> : vector<32x32xf32>
    %dot_general3A_16 = tpu.matmul %max3A_11, %get3A_14, %dot_general3A_15 {dimension_numbers = #tpu.dot_dimension_numbers<[1], [0], [0], [1], [0, 0, 1, 1], [], []>, transpose_lhs_hint = false} : vector<32x256xf32>, vector<256x32xf32>, vector<32x32xf32> -> vector<32x32xf32>
    %get3A_17 = arith.constant 0 : index
    %get3A_18 = arith.constant 0 : index
    %get3A_19 = vector.load %arg4[%get3A_17, %get3A_18] : memref<1x32xf32, #tpu.memory_space<vmem>>, vector<1x32xf32>
    %add3A_20 = vector.broadcast %get3A_19 : vector<1x32xf32> to vector<32x32xf32>
    %add3A_21 = arith.addf %dot_general3A_16, %add3A_20 : vector<32x32xf32>
    %swap3A = arith.constant 0 : index
    %swap3A_22 = arith.constant 0 : index
    %swap3A_23 = vector.load %arg5[%swap3A, %swap3A_22] : memref<32x32xf32, #tpu.memory_space<vmem>>, vector<32x32xf32>
    tpu.vector_store %arg5[%swap3A, %swap3A_22], %add3A_21 {strides = array<i32>} : memref<32x32xf32, #tpu.memory_space<vmem>>, vector<32x32xf32>,
    return
  }
}

</mosaic_0001>

<sc_bundles>
// kernel: kernel.12.cloned.1.call-start
scs
__scs_entry_jumppad:
0x0: {  	(pc) =	sbr.rel $0x88, $3  }
0x1: {  	(tag) =	ssettag $0x0;
	lr =	simm.s32 $0x1  }
0x2: {  	[smem:$0x3F91] =	sst lr;
	_ =	strace $0xD0000000  }
0x3: {  	_ = 	snop  }
0x4: {  	_ = 	snop  }
0x5: {  	_ = 	snop  }
0x6: {  	_ = 	snop  }
0x7: {  	_ = 	snop  }
__scs_overlays_trampoline_lowered:
0x8: {  	[smem:$0x3FA0] =	sst s0  }
0x9: {  	[smem:$0x3FA1] =	sst s1  }
0xa: {  	[smem:$0x3FA2] =	sst s2  }
0xb: {  	[smem:$0x3FA3] =	sst s3  }
0xc: {  	[smem:$0x3FA4] =	sst s4  }
0xd: {  	[smem:$0x3FA5] =	sst s5  }
0xe: {  	[smem:$0x3FA6] =	sst s6  }
0xf: {  	[smem:$0x3FA7] =	sst s7  }
0x10: {  	[smem:$0x3FA8] =	sst s8  }
0x11: {  	[smem:$0x3FA9] =	sst s9;
	s0 =	simm.s32 @!p0 $0x0  }
0x12: {  	s1 =	sld [smem:$0x3F8F];
	s0 =	simm.s32 @p0 $0x1  }
0x13: {  	[smem:$0x3FAA] =	sst s0;
	s0 =	simm.s32 @!p1 $0x0  }
0x14: {  	s2 =	sld [smem:$0x3F8E];
	s0 =	simm.s32 @p1 $0x1  }
0x15: {  	[smem:$0x3FAB] =	sst s0;
	s0 =	simm.s32 @!p2 $0x0  }
0x16: {  	s3 =	sld [smem:$0x3FDB];
	s0 =	simm.s32 @p2 $0x1  }
0x17: {  	s4 =	simm.s32 $0x1BF5;
	[smem:$0x3FAD] =	sst s0  }
0x18: {  	s0 =	sld [smem:$0x3F90];
	_ =	swait.ge [sflag:s4], $0x0  }
0x19: {  	s7 =	sld [smem:$0x3F91]  }
0x1a: {  	s8 =	sadd.s32 $0xFFFFE003, lr  }
0x1b: {  	s9 =	sadd.s32 $0xFFFFFEF7, lr;
	s5 =	simm.s32 $0xFFFFFFFF;
	p2 =	slt.u32 s8, $0xFFFFF086  }
0x1c: {  	p1 =	slt.u32 s9, $0xF7A;
	s5 =	simm.s32 @!p2 $0x0  }
0x1d: {  	s5 =	simm.s32 @p1 $0x1;
	p0 =	seq.s32 s7, s2  }
0x1e: {  	s7 =	smul.u32 @!p0 $0xF7A, s2;
	p2 =	seq.s32 @!p0 s5, $0x0  }
0x1f: {  	s9 =	smul.u32 $0xF7A, s1;
	s8 =	simm.s32 @!p0 $0x1BF5;
	p2 =	por !p2, p0  }
0x20: {  	[sflag:s8] =	ssyncset.s32 @!p0 $0xFFFFF086;
	s6 =	sadd.s32 @!p0 s3, s7;
	s7 =	simm.s32 @!p0 $0x108  }
0x21: {  	s3 =	sadd.s32 s3, s9;
	s6 =	sadd.s32 @!p0 $0x88, s6;
	s7 =	simm.s32 @p2 $0x1082  }
0x22: {  	[simem:s7], [sflag:s8] =	dma.local @!p0 [hbm:s6], $0xF7A  }
0x23: {  	s9 =	sor.u32 $0xD0000000, s2;
	s6 =	simm.s32 $0x108;
	_ =	swait.ge @!p0 [sflag:s8], $0x0  }
0x24: {  	s3 =	sadd.s32 $0x88, s3;
	s6 =	simm.s32 @!p1 $0x1082;
	[sflag:s4] =	ssyncset.s32 $0xFFFFF086  }
0x25: {  	[simem:s6], [sflag:s4] =	dma.local [hbm:s3], $0xF7A  }
0x26: {  	[smem:$0x3F91] =	sst s1;
	(tag) =	ssettag s2;
	_ =	strace s9  }
0x27: {  	s1 =	sld [smem:$0x3FA1]  }
0x28: {  	s2 =	sld [smem:$0x3FA2]  }
0x29: {  	s4 =	sld [smem:$0x3FA4]  }
0x2a: {  	p0 =	seq.s32 s5, $0x0;
	s5 =	sld [smem:$0x3FA5]  }
0x2b: {  	s6 =	sld [smem:$0x3FA6]  }
0x2c: {  	s7 =	sld [smem:$0x3FA7]  }
0x2d: {  	s3 =	simm.s32 $0x108;
	s8 =	sld [smem:$0x3FA8]  }
0x2e: {  	s3 =	simm.s32 @!p0 $0x1082;
	s9 =	sld [smem:$0x3FA9]  }
0x2f: {  	lr =	sadd.s32 s0, s3;
	s0 =	sld [smem:$0x3FA0]  }
0x30: {  	s3 =	sld [smem:$0x3FA3]  }
0x31: {  	[smem:$0x3FAC] =	sst s10  }
0x32: {  	s10 =	sld [smem:$0x3FAA];
	_ =	sdelay $0x3  }
0x33: {  	p0 =	seq.s32 s10, $0x1;
	s10 =	sld [smem:$0x3FAC];
	_ =	sdelay $0x3  }
0x34: {  	[smem:$0x3FAC] =	sst s10  }
0x35: {  	s10 =	sld [smem:$0x3FAB];
	_ =	sdelay $0x3  }
0x36: {  	p1 =	seq.s32 s10, $0x1;
	s10 =	sld [smem:$0x3FAC];
	_ =	sdelay $0x3  }
0x37: {  	[smem:$0x3FAC] =	sst s10  }
0x38: {  	s10 =	sld [smem:$0x3FAD]  }
0x39: {  	_ = 	snop;
	(pc) =	sbr.ind lr, $3  }
0x3a: {  	_ = 	snop  }
0x3b: {  	_ = 	snop  }
0x3c: {  	p2 =	seq.s32 s10, $0x1;
	s10 =	sld [smem:$0x3FAC]  }
0x3d: {  	_ =	shalt  }
0x3e: {  	_ =	shalt  }
0x3f: {  	_ =	shalt  }
0x40: {  	_ =	shalt  }
0x41: {  	_ =	shalt  }
0x42: {  	_ =	shalt  }
0x43: {  	_ =	shalt  }
0x44: {  	_ =	shalt  }
0x45: {  	_ =	shalt  }
0x46: {  	_ =	shalt  }
0x47: {  	_ =	shalt  }
0x48: {  	_ =	shalt  }
0x49: {  	_ =	shalt  }
0x4a: {  	_ =	shalt  }
0x4b: {  	_ =	shalt  }
0x4c: {  	_ =	shalt  }
0x4d: {  	_ =	shalt  }
0x4e: {  	_ =	shalt  }
0x4f: {  	_ =	shalt  }
0x50: {  	_ =	shalt  }
0x51: {  	_ =	shalt  }
0x52: {  	_ =	shalt  }
0x53: {  	_ =	shalt  }
0x54: {  	_ =	shalt  }
0x55: {  	_ =	shalt  }
0x56: {  	_ =	shalt  }
0x57: {  	_ =	shalt  }
0x58: {  	_ =	shalt  }
0x59: {  	_ =	shalt  }
0x5a: {  	_ =	shalt  }
0x5b: {  	_ =	shalt  }
0x5c: {  	_ =	shalt  }
0x5d: {  	_ =	shalt  }
0x5e: {  	_ =	shalt  }
0x5f: {  	_ =	shalt  }
0x60: {  	_ =	shalt  }
0x61: {  	_ =	shalt  }
0x62: {  	_ =	shalt  }
0x63: {  	_ =	shalt  }
0x64: {  	_ =	shalt  }
0x65: {  	_ =	shalt  }
0x66: {  	_ =	shalt  }
0x67: {  	_ =	shalt  }
0x68: {  	_ =	shalt  }
0x69: {  	_ =	shalt  }
0x6a: {  	_ =	shalt  }
0x6b: {  	_ =	shalt  }
0x6c: {  	_ =	shalt  }
0x6d: {  	_ =	shalt  }
0x6e: {  	_ =	shalt  }
0x6f: {  	_ =	shalt  }
0x70: {  	_ =	shalt  }
0x71: {  	_ =	shalt  }
0x72: {  	_ =	shalt  }
0x73: {  	_ =	shalt  }
0x74: {  	_ =	shalt  }
0x75: {  	_ =	shalt  }
0x76: {  	_ =	shalt  }
0x77: {  	_ =	shalt  }
0x78: {  	_ =	shalt  }
0x79: {  	_ =	shalt  }
0x7a: {  	_ =	shalt  }
0x7b: {  	_ =	shalt  }
0x7c: {  	_ =	shalt  }
0x7d: {  	_ =	shalt  }
0x7e: {  	_ =	shalt  }
0x7f: {  	_ =	shalt  }
0x80: {  	_ =	shalt  }
0x81: {  	_ =	shalt  }
0x82: {  	_ =	shalt  }
0x83: {  	_ =	shalt  }
0x84: {  	_ =	shalt  }
0x85: {  	_ =	shalt  }
0x86: {  	_ =	shalt  }
0x87: {  	_ =	shalt  }
.Lfunc_end0:
.L_simem_size_0:
called_computation.3_lowered:
.L_overlay_start_0:
0x88: {  	s2 =	sld [smem:$0x3FD9]  }
0x89: {  	s3 =	sld [smem:$0x3FFE];
	_ =	sdelay $0x1  }
0x8a: {  	s1 =	srdreg.scid  }
0x8b: {  	s0 =	sand.u32 $0x1, s1  }
0x8c: {  	s16 =	sshll.u32 s0, $0xA;
	s2 =	sadd.s32 s3, s2  }
0x8d: {  	s2 =	sadd.s32 s2, s16  }
0x8e: {  	[smem:$0x3FB8] =	sst s2  }
0x8f: {  	_ = 	snop  }
0x90: {  	(tm) =	ssettm $0x1  }
0x91: {  	s17 =	sld [smem:$0x3FFB];
	_ =	sdelay $0x3  }
0x92: {  	_ =	strace s17  }
0x93: {  	s2 =	sld [smem:$0x3FFC];
	_ =	sdelay $0x3  }
0x94: {  	_ =	strace s2  }
0x95: {  	s2 =	sld [smem:$0x3FFD];
	_ =	sdelay $0x3  }
0x96: {  	_ =	strace s2  }
0x97: {  	_ =	strace $0x8FFFFFFF  }
0x98: {  	s18 =	sld [smem:$0x3FDB];
	_ =	sdelay $0x1  }
0x99: {  	s19 =	simm.s32 $_scs_section_size  }
0x9a: {  	s4 =	simm.s32 $_size__tile_overlayer_lowered;
	s5 =	simm.s32 $_tile_overlayer_lowered  }
0x9b: {  	s22 =	simm.s32 $0x1BFF;
	s21 =	sshll.u32 s5, $0x1;
	s2 =	sadd.s32 s19, s18  }
0x9c: {  	s6 =	simm.s32 $0x0;
	s20 =	sshll.u32 s4, $0x1;
	s4 =	sadd.s32 s21, s2  }
0x9d: {  	[timem:s6], [sflag:s22] =	dma.local [hbm:s4], s20  }
0x9e: {  	_ =	swait.ge [sflag:s22], s20  }
0x9f: {  	s3 =	ssub.s32 $0x0, s20;
	[sflag:s22] =	ssyncset.done $0x0  }
0xa0: {  	[sflag:s22] =	ssyncadd.s32 s3;
	_ =	sdelay $0x1  }
0xa1: {  	s23 =	simm.s32 $0x1B8B  }
0xa2: {  	_ =	swait.ge [sflag:s23], $0x1  }
0xa3: {  	[sflag:s23] =	ssyncset.done $0x0  }
0xa4: {  	s25 =	simm.s32 $0x1B8E;
	s24 =	sld [smem:$0x3FFE];
	[sflag:s23] =	ssyncadd.s32 $0xFFFFFFFF  }
0xa5: {  	s26 =	simm.s32 $execute0_lowered;
	[smem:$0x3FD2] =	sst s25  }
0xa6: {  	s4 =	sshll.u32 s26, $0x1;
	_ =	strace $0x8000004F;
	[dreg:$0x1] =	wrdreg $0xFFFFFFFF  }
0xa7: {  	s28 =	simm.s32 $_size_execute0_lowered;
	s2 =	sadd.s32 s2, s4;
	[dreg:$0x0] =	wrdreg $0x0  }
0xa8: {  	s4 =	sshll.u32 s28, $0x1;
	[dreg:$0x2] =	wrdreg s2  }
0xa9: {  	[dreg:$0x3] =	wrdreg s4  }
0xaa: {  	[dreg:$0x4] =	wrdreg $0xC0  }
0xab: {  	_ =	task [dreg:s6], $0x5FFFF  }
0xac: {  	[dreg:$0x1] =	wrdreg $0xFFFFFFFF  }
0xad: {  	[dreg:$0x0] =	wrdreg $0x60  }
0xae: {  	[dreg:$0x2] =	wrdreg s24  }
0xaf: {  	[dreg:$0x3] =	wrdreg $0x9  }
0xb0: {  	_ =	task.clear_ibuf [dreg:s6], $0x4FFFF;
	_ =	strace $0x9000004F  }
0xb1: {  	s29 =	simm.s32 $0x9;
	_ =	strace $0x80000051  }
0xb2: {  	_ =	swait.ge [sflag:s29], $0x1  }
0xb3: {  	[sflag:s29] =	ssyncadd.s32 $0xFFFFFFFF  }
0xb4: {  	_ =	strace $0x90000051  }
0xb5: {  	_ =	sfence  }
0xb6: {  	s30 =	sld [smem:$0x0];
	_ =	sdelay $0x2  }
0xb7: {  	s31 =	sshll.u32 s1, $0xD;
	s1 =	sshrl.u32 s1, $0x2  }
0xb8: {  	s3 =	sand.u32 $0x4000, s31;
	s1 =	sadd.s32 s1, s30  }
0xb9: {  	s0 =	sor.u32 s3, s0;
	s1 =	sshll.u32 s1, $0x11  }
0xba: {  	s0 =	sor.u32 s1, s0  }
0xbb: {  	s0 =	sadd.s32 $0x8F2B, s0  }
0xbc: {  	[sflag:s0] =	ssyncadd.remote.s32 $0x1  }
0xbd: {  	_ =	sfence.sel $0xFFFF  }
0xbe: {  	[dreg:$0x0] =	wrdreg $0xFFFFFFFF;
	(pc) =	sbr.abs _section_cstart, $3  }
0xbf: {  	[dreg:$0x1] =	wrdreg $0xFFFFFFFF  }
0xc0: {  	_ =	task.clear_ibuf [dreg:s6], $0x2FFFF;
	_ =	strace $0x9FFFFFFF  }
0xc1: {  	(tm) =	ssettm $0x7FFFFFFF  }
tec
execute0_lowered:
.L_overlay_start_1:
0x0: {  	(tag) =	ssettag $0x1  }
0x1: {  	s4 =	rddreg [dreg:$0x0]  }
0x2: {  	s0 =	rddreg [dreg:$0x1]  }
0x3: {  	s3 =	srdreg.scid;
	s1 =	stileid.u32;
	s2 =	simm.s32 $0x0  }
0x4: {  	s11 =	simm.s32 $0x0;
	s5 =	sand.u32 $0x1, s3;
	s28 =	sshll.u32 s1, $0x1  }
0x5: {  	[smem:$0x7FF] =	sst s2;
	s7 =	smul.u32 $0xA0000, s1;
	s3 =	sor.u32 s5, s28  }
0x6: {  	_ =	strace $0x80000050;
	s8 =	ssub.s32 $0x2, s5;
	s10 =	smul.u32 $0x50000, s5  }
0x7: {  	s6 =	smul.u32 $0x5000, s3;
	s3 =	sadd.s32 $0xC88000, s4;
	s9 =	sshrl.u32 s8, $0x1  }
0x8: {  	s30 =	sadd.s32 s7, s4;
	s7 =	simm.s32 $0x2;
	s31 =	ssub.s32 s8, s9  }
0x9: {  	s8 =	simm.s32 $0x200;
	s9 =	simm.s32 $0x5000;
	s6 =	sshrl.u32 s6, $0x3  }
0xa: {  	s5 =	smax.u32 s31, $0x1;
	s29 =	sadd.s32 s6, s4;
	s6 =	sadd.s32 s10, s30  }
0xb: {  	s10 =	simm.s32 $0x1;
	s4 =	sadd.s32 $0x400, s29;
	s6 =	sadd.s32 $0xD08000, s6  }
.LBB2_1:
0xc: {  	[tilespmem:s2], [sflag:$0x2] =	stream.linear.gather [hbm4b:s4+s2], $0x5000, $0x38;
	[tilespmem:$0x15000] =	vst v63  }
0xd: {  	_ =	swait.ge [sflag:s7], $0x5000  }
0xe: {  	[sflag:s7] =	ssyncset.done $0x0  }
0xf: {  	s12 =	simm.s32 $0x0;
	[sflag:s7] =	ssyncadd.s32 $0xFFFFB000  }
0x10: {  	[tilespmem:s9], [sflag:$0x1] =	stream.indirect.gather [hbm4b:s3+s8], $0x80, s12, s8, $0xb8;
	[tilespmem:$0x15000] =	vst v63  }
0x11: {  	_ =	swait.ge [sflag:s10], $0x10000  }
0x12: {  	[sflag:s10] =	ssyncset.done $0x0  }
0x13: {  	[sflag:s10] =	ssyncadd.s32 $0xFFFF0000  }
0x14: {  	[hbm4b:s6+s2] =	stream.linear.scatter [tilespmem:s9], [sflag:$0x2], $0x10000, $0x38;
	[tilespmem:$0x15000] =	vst v63  }
0x15: {  	s13 =	simm.s32 $0x800;
	_ =	swait.ge [sflag:s7], $0x10000  }
0x16: {  	s14 =	simm.s32 $0x1000;
	s12 =	sadd.s32 $0x2000, s6;
	[sflag:s7] =	ssyncset.done $0x0  }
.LBB2_2:
0x17: {  	s15 =	sshra.s32 s13, $0x2  }
0x18: {  	[sflag:s7] =	ssyncadd.s32 $0xFFFF0000;
	s13 =	smov.u32 s14;
	s16 =	sadd.s32 $0x800, s14  }
0x19: {  	[tilespmem:s9], [sflag:$0x1] =	stream.indirect.gather [hbm4b:s3+s8], $0x80, s15, s8, $0xb8;
	[tilespmem:$0x15000] =	vst v63  }
0x1a: {  	p0 =	sne.s32 s14, $0x13800;
	_ =	swait.ge [sflag:s10], $0x10000  }
.Ltmp0:
0x1b: {  	[sflag:s10] =	ssyncset.done $0x0;
	(pc) =	sbr.rel @p0 .LBB2_2-.Ltmp0, $4  }
0x1c: {  	[sflag:s10] =	ssyncadd.s32 $0xFFFF0000  }
0x1d: {  	[hbm4b:s12+s2] =	stream.linear.scatter [tilespmem:s9], [sflag:$0x2], $0x10000, $0x38;
	[tilespmem:$0x15000] =	vst v63  }
0x1e: {  	_ =	swait.ge [sflag:s7], $0x10000  }
0x1f: {  	s14 =	smov.u32 s16;
	s12 =	sadd.s32 $0x2000, s12;
	[sflag:s7] =	ssyncset.done $0x0  }
0x20: {  	s13 =	sshra.s32 s13, $0x2;
	[sflag:s7] =	ssyncadd.s32 $0xFFFF0000  }
0x21: {  	[tilespmem:s9], [sflag:$0x1] =	stream.indirect.gather [hbm4b:s3+s8], $0x80, s13, s8, $0xb8;
	[tilespmem:$0x15000] =	vst v63  }
0x22: {  	s11 =	sadd.s32 $0x1, s11;
	_ =	swait.ge [sflag:s10], $0x10000  }
0x23: {  	p0 =	sne.s32 s11, s5;
	[sflag:s10] =	ssyncset.done $0x0  }
.Ltmp1:
0x24: {  	[sflag:s10] =	ssyncadd.s32 $0xFFFF0000;
	(pc) =	sbr.rel @p0 .LBB2_1-.Ltmp1, $4  }
0x25: {  	[hbm4b:s12+s2] =	stream.linear.scatter [tilespmem:s9], [sflag:$0x2], $0x10000, $0x38;
	[tilespmem:$0x15000] =	vst v63  }
0x26: {  	_ =	swait.ge [sflag:s7], $0x10000  }
0x27: {  	[sflag:s7] =	ssyncset.done $0x0  }
0x28: {  	[sflag:s7] =	ssyncadd.s32 $0xFFFF0000  }
0x29: {  	_ =	sfence.sel $0x180000  }
0x2a: {  	[bflag:$0x0] =	sbarrier.arrive $0xFFFF  }
0x2b: {  	p0 =	sne.s32 s1, $0x0;
	_ =	strace $0x90000050  }
0x2c: {  	s0 =	sadd.s32 @!p0 $0x100000, s0;
	[bflag:$0x2] =	sbarrier.arrive $0xFFFF  }
0x2d: {  	[sflag:s0] =	ssyncadd.tile.s32 @!p0 $0x1;
	_ =	shalt  }
.Lfunc_end2:
_tile_overlayer_lowered:
.L_overlay_start_2:
0x2e: {  	(tag) =	ssettag $0x2  }
0x2f: {  	s0 =	rddreg [dreg:$0x0];
	s2 =	stileid.u32  }
0x30: {  	s1 =	rddreg [dreg:$0x1];
	p0 =	sne.s32 s2, $0x0  }
0x31: {  	s3 =	rddreg [dreg:$0x2];
	[bflag:$0x3] =	sbarrier.arrive $0xFFFF;
	s2 =	simm.s32 @!p0 $0x1C02  }
0x32: {  	[timem:s3], [sflag:s2] =	dma.local @!p0 [hbm:s0], s1  }
0x33: {  	s0 =	simm.s32 @!p0 $0x2  }
0x34: {  	_ =	swait.ge @!p0 [sflag:s0], s1  }
0x35: {  	s1 =	ssub.s32 @!p0 $0x0, s1;
	[sflag:s0] =	ssyncset.done @!p0 $0x0  }
0x36: {  	[sflag:s0] =	ssyncadd.s32 @!p0 s1  }
0x37: {  	[bflag:$0x3] =	sbarrier.arrive $0xFFFF  }
0x38: {  	_ =	shalt  }

// kernel: kernel.9.cloned.1.call-start
scs
__scs_entry_jumppad:
0x0: {  	(pc) =	sbr.rel $0x88, $3  }
0x1: {  	(tag) =	ssettag $0x0;
	lr =	simm.s32 $0x1  }
0x2: {  	[smem:$0x3F91] =	sst lr;
	_ =	strace $0xD0000000  }
0x3: {  	_ = 	snop  }
0x4: {  	_ = 	snop  }
0x5: {  	_ = 	snop  }
0x6: {  	_ = 	snop  }
0x7: {  	_ = 	snop  }
__scs_overlays_trampoline_lowered:
0x8: {  	[smem:$0x3FA0] =	sst s0  }
0x9: {  	[smem:$0x3FA1] =	sst s1  }
0xa: {  	[smem:$0x3FA2] =	sst s2  }
0xb: {  	[smem:$0x3FA3] =	sst s3  }
0xc: {  	[smem:$0x3FA4] =	sst s4  }
0xd: {  	[smem:$0x3FA5] =	sst s5  }
0xe: {  	[smem:$0x3FA6] =	sst s6  }
0xf: {  	[smem:$0x3FA7] =	sst s7  }
0x10: {  	[smem:$0x3FA8] =	sst s8  }
0x11: {  	[smem:$0x3FA9] =	sst s9;
	s0 =	simm.s32 @!p0 $0x0  }
0x12: {  	s1 =	sld [smem:$0x3F8F];
	s0 =	simm.s32 @p0 $0x1  }
0x13: {  	[smem:$0x3FAA] =	sst s0;
	s0 =	simm.s32 @!p1 $0x0  }
0x14: {  	s2 =	sld [smem:$0x3F8E];
	s0 =	simm.s32 @p1 $0x1  }
0x15: {  	[smem:$0x3FAB] =	sst s0;
	s0 =	simm.s32 @!p2 $0x0  }
0x16: {  	s3 =	sld [smem:$0x3FDB];
	s0 =	simm.s32 @p2 $0x1  }
0x17: {  	s4 =	simm.s32 $0x1BF5;
	[smem:$0x3FAD] =	sst s0  }
0x18: {  	s0 =	sld [smem:$0x3F90];
	_ =	swait.ge [sflag:s4], $0x0  }
0x19: {  	s7 =	sld [smem:$0x3F91]  }
0x1a: {  	s8 =	sadd.s32 $0xFFFFE003, lr  }
0x1b: {  	s9 =	sadd.s32 $0xFFFFFEF7, lr;
	s5 =	simm.s32 $0xFFFFFFFF;
	p2 =	slt.u32 s8, $0xFFFFF086  }
0x1c: {  	p1 =	slt.u32 s9, $0xF7A;
	s5 =	simm.s32 @!p2 $0x0  }
0x1d: {  	s5 =	simm.s32 @p1 $0x1;
	p0 =	seq.s32 s7, s2  }
0x1e: {  	s7 =	smul.u32 @!p0 $0xF7A, s2;
	p2 =	seq.s32 @!p0 s5, $0x0  }
0x1f: {  	s9 =	smul.u32 $0xF7A, s1;
	s8 =	simm.s32 @!p0 $0x1BF5;
	p2 =	por !p2, p0  }
0x20: {  	[sflag:s8] =	ssyncset.s32 @!p0 $0xFFFFF086;
	s6 =	sadd.s32 @!p0 s3, s7;
	s7 =	simm.s32 @!p0 $0x108  }
0x21: {  	s3 =	sadd.s32 s3, s9;
	s6 =	sadd.s32 @!p0 $0x88, s6;
	s7 =	simm.s32 @p2 $0x1082  }
0x22: {  	[simem:s7], [sflag:s8] =	dma.local @!p0 [hbm:s6], $0xF7A  }
0x23: {  	s9 =	sor.u32 $0xD0000000, s2;
	s6 =	simm.s32 $0x108;
	_ =	swait.ge @!p0 [sflag:s8], $0x0  }
0x24: {  	s3 =	sadd.s32 $0x88, s3;
	s6 =	simm.s32 @!p1 $0x1082;
	[sflag:s4] =	ssyncset.s32 $0xFFFFF086  }
0x25: {  	[simem:s6], [sflag:s4] =	dma.local [hbm:s3], $0xF7A  }
0x26: {  	[smem:$0x3F91] =	sst s1;
	(tag) =	ssettag s2;
	_ =	strace s9  }
0x27: {  	s1 =	sld [smem:$0x3FA1]  }
0x28: {  	s2 =	sld [smem:$0x3FA2]  }
0x29: {  	s4 =	sld [smem:$0x3FA4]  }
0x2a: {  	p0 =	seq.s32 s5, $0x0;
	s5 =	sld [smem:$0x3FA5]  }
0x2b: {  	s6 =	sld [smem:$0x3FA6]  }
0x2c: {  	s7 =	sld [smem:$0x3FA7]  }
0x2d: {  	s3 =	simm.s32 $0x108;
	s8 =	sld [smem:$0x3FA8]  }
0x2e: {  	s3 =	simm.s32 @!p0 $0x1082;
	s9 =	sld [smem:$0x3FA9]  }
0x2f: {  	lr =	sadd.s32 s0, s3;
	s0 =	sld [smem:$0x3FA0]  }
0x30: {  	s3 =	sld [smem:$0x3FA3]  }
0x31: {  	[smem:$0x3FAC] =	sst s10  }
0x32: {  	s10 =	sld [smem:$0x3FAA];
	_ =	sdelay $0x3  }
0x33: {  	p0 =	seq.s32 s10, $0x1;
	s10 =	sld [smem:$0x3FAC];
	_ =	sdelay $0x3  }
0x34: {  	[smem:$0x3FAC] =	sst s10  }
0x35: {  	s10 =	sld [smem:$0x3FAB];
	_ =	sdelay $0x3  }
0x36: {  	p1 =	seq.s32 s10, $0x1;
	s10 =	sld [smem:$0x3FAC];
	_ =	sdelay $0x3  }
0x37: {  	[smem:$0x3FAC] =	sst s10  }
0x38: {  	s10 =	sld [smem:$0x3FAD]  }
0x39: {  	_ = 	snop;
	(pc) =	sbr.ind lr, $3  }
0x3a: {  	_ = 	snop  }
0x3b: {  	_ = 	snop  }
0x3c: {  	p2 =	seq.s32 s10, $0x1;
	s10 =	sld [smem:$0x3FAC]  }
0x3d: {  	_ =	shalt  }
0x3e: {  	_ =	shalt  }
0x3f: {  	_ =	shalt  }
0x40: {  	_ =	shalt  }
0x41: {  	_ =	shalt  }
0x42: {  	_ =	shalt  }
0x43: {  	_ =	shalt  }
0x44: {  	_ =	shalt  }
0x45: {  	_ =	shalt  }
0x46: {  	_ =	shalt  }
0x47: {  	_ =	shalt  }
0x48: {  	_ =	shalt  }
0x49: {  	_ =	shalt  }
0x4a: {  	_ =	shalt  }
0x4b: {  	_ =	shalt  }
0x4c: {  	_ =	shalt  }
0x4d: {  	_ =	shalt  }
0x4e: {  	_ =	shalt  }
0x4f: {  	_ =	shalt  }
0x50: {  	_ =	shalt  }
0x51: {  	_ =	shalt  }
0x52: {  	_ =	shalt  }
0x53: {  	_ =	shalt  }
0x54: {  	_ =	shalt  }
0x55: {  	_ =	shalt  }
0x56: {  	_ =	shalt  }
0x57: {  	_ =	shalt  }
0x58: {  	_ =	shalt  }
0x59: {  	_ =	shalt  }
0x5a: {  	_ =	shalt  }
0x5b: {  	_ =	shalt  }
0x5c: {  	_ =	shalt  }
0x5d: {  	_ =	shalt  }
0x5e: {  	_ =	shalt  }
0x5f: {  	_ =	shalt  }
0x60: {  	_ =	shalt  }
0x61: {  	_ =	shalt  }
0x62: {  	_ =	shalt  }
0x63: {  	_ =	shalt  }
0x64: {  	_ =	shalt  }
0x65: {  	_ =	shalt  }
0x66: {  	_ =	shalt  }
0x67: {  	_ =	shalt  }
0x68: {  	_ =	shalt  }
0x69: {  	_ =	shalt  }
0x6a: {  	_ =	shalt  }
0x6b: {  	_ =	shalt  }
0x6c: {  	_ =	shalt  }
0x6d: {  	_ =	shalt  }
0x6e: {  	_ =	shalt  }
0x6f: {  	_ =	shalt  }
0x70: {  	_ =	shalt  }
0x71: {  	_ =	shalt  }
0x72: {  	_ =	shalt  }
0x73: {  	_ =	shalt  }
0x74: {  	_ =	shalt  }
0x75: {  	_ =	shalt  }
0x76: {  	_ =	shalt  }
0x77: {  	_ =	shalt  }
0x78: {  	_ =	shalt  }
0x79: {  	_ =	shalt  }
0x7a: {  	_ =	shalt  }
0x7b: {  	_ =	shalt  }
0x7c: {  	_ =	shalt  }
0x7d: {  	_ =	shalt  }
0x7e: {  	_ =	shalt  }
0x7f: {  	_ =	shalt  }
0x80: {  	_ =	shalt  }
0x81: {  	_ =	shalt  }
0x82: {  	_ =	shalt  }
0x83: {  	_ =	shalt  }
0x84: {  	_ =	shalt  }
0x85: {  	_ =	shalt  }
0x86: {  	_ =	shalt  }
0x87: {  	_ =	shalt  }
.Lfunc_end0:
.L_simem_size_0:
called_computation.2_lowered:
.L_overlay_start_0:
0x88: {  	s2 =	sld [smem:$0x3FD9]  }
0x89: {  	s3 =	sld [smem:$0x3FFE];
	_ =	sdelay $0x1  }
0x8a: {  	s1 =	srdreg.scid  }
0x8b: {  	s0 =	sand.u32 $0x1, s1  }
0x8c: {  	s16 =	sshll.u32 s0, $0xA;
	s2 =	sadd.s32 s3, s2  }
0x8d: {  	s2 =	sadd.s32 s2, s16  }
0x8e: {  	[smem:$0x3FB8] =	sst s2  }
0x8f: {  	_ = 	snop  }
0x90: {  	(tm) =	ssettm $0x1  }
0x91: {  	s17 =	sld [smem:$0x3FFB];
	_ =	sdelay $0x3  }
0x92: {  	_ =	strace s17  }
0x93: {  	s2 =	sld [smem:$0x3FFC];
	_ =	sdelay $0x3  }
0x94: {  	_ =	strace s2  }
0x95: {  	s2 =	sld [smem:$0x3FFD];
	_ =	sdelay $0x3  }
0x96: {  	_ =	strace s2  }
0x97: {  	_ =	strace $0x8FFFFFFF  }
0x98: {  	s18 =	sld [smem:$0x3FDB];
	_ =	sdelay $0x1  }
0x99: {  	s19 =	simm.s32 $_scs_section_size  }
0x9a: {  	s4 =	simm.s32 $_size__tile_overlayer_lowered;
	s5 =	simm.s32 $_tile_overlayer_lowered  }
0x9b: {  	s22 =	simm.s32 $0x1BFF;
	s21 =	sshll.u32 s5, $0x1;
	s2 =	sadd.s32 s19, s18  }
0x9c: {  	s6 =	simm.s32 $0x0;
	s20 =	sshll.u32 s4, $0x1;
	s4 =	sadd.s32 s21, s2  }
0x9d: {  	[timem:s6], [sflag:s22] =	dma.local [hbm:s4], s20  }
0x9e: {  	_ =	swait.ge [sflag:s22], s20  }
0x9f: {  	s3 =	ssub.s32 $0x0, s20;
	[sflag:s22] =	ssyncset.done $0x0  }
0xa0: {  	[sflag:s22] =	ssyncadd.s32 s3;
	_ =	sdelay $0x1  }
0xa1: {  	s23 =	simm.s32 $0x1B8B  }
0xa2: {  	_ =	swait.ge [sflag:s23], $0x1  }
0xa3: {  	[sflag:s23] =	ssyncset.done $0x0  }
0xa4: {  	s25 =	simm.s32 $0x1B8E;
	s24 =	sld [smem:$0x3FFE];
	[sflag:s23] =	ssyncadd.s32 $0xFFFFFFFF  }
0xa5: {  	s26 =	simm.s32 $execute0_lowered;
	[smem:$0x3FD2] =	sst s25  }
0xa6: {  	s4 =	sshll.u32 s26, $0x1;
	_ =	strace $0x80000049;
	[dreg:$0x1] =	wrdreg $0xFFFFFFFF  }
0xa7: {  	s28 =	simm.s32 $_size_execute0_lowered;
	s2 =	sadd.s32 s2, s4;
	[dreg:$0x0] =	wrdreg $0x0  }
0xa8: {  	s4 =	sshll.u32 s28, $0x1;
	[dreg:$0x2] =	wrdreg s2  }
0xa9: {  	[dreg:$0x3] =	wrdreg s4  }
0xaa: {  	[dreg:$0x4] =	wrdreg $0xC0  }
0xab: {  	_ =	task [dreg:s6], $0x5FFFF  }
0xac: {  	[dreg:$0x1] =	wrdreg $0xFFFFFFFF  }
0xad: {  	[dreg:$0x0] =	wrdreg $0x60  }
0xae: {  	[dreg:$0x2] =	wrdreg s24  }
0xaf: {  	[dreg:$0x3] =	wrdreg $0x9  }
0xb0: {  	_ =	task.clear_ibuf [dreg:s6], $0x4FFFF;
	_ =	strace $0x90000049  }
0xb1: {  	s29 =	simm.s32 $0x9;
	_ =	strace $0x8000004B  }
0xb2: {  	_ =	swait.ge [sflag:s29], $0x1  }
0xb3: {  	[sflag:s29] =	ssyncadd.s32 $0xFFFFFFFF  }
0xb4: {  	_ =	strace $0x9000004B  }
0xb5: {  	_ =	sfence  }
0xb6: {  	s30 =	sld [smem:$0x0];
	_ =	sdelay $0x2  }
0xb7: {  	s31 =	sshll.u32 s1, $0xD;
	s1 =	sshrl.u32 s1, $0x2  }
0xb8: {  	s3 =	sand.u32 $0x4000, s31;
	s1 =	sadd.s32 s1, s30  }
0xb9: {  	s0 =	sor.u32 s3, s0;
	s1 =	sshll.u32 s1, $0x11  }
0xba: {  	s0 =	sor.u32 s1, s0  }
0xbb: {  	s0 =	sadd.s32 $0x8F2B, s0  }
0xbc: {  	[sflag:s0] =	ssyncadd.remote.s32 $0x1  }
0xbd: {  	_ =	sfence.sel $0xFFFF  }
0xbe: {  	[dreg:$0x0] =	wrdreg $0xFFFFFFFF;
	(pc) =	sbr.abs _section_cstart, $3  }
0xbf: {  	[dreg:$0x1] =	wrdreg $0xFFFFFFFF  }
0xc0: {  	_ =	task.clear_ibuf [dreg:s6], $0x2FFFF;
	_ =	strace $0x9FFFFFFF  }
0xc1: {  	(tm) =	ssettm $0x7FFFFFFF  }
tec
execute0_lowered:
.L_overlay_start_1:
0x0: {  	(tag) =	ssettag $0x1  }
0x1: {  	s1 =	srdreg.scid;
	s0 =	stileid.u32  }
0x2: {  	s3 =	rddreg [dreg:$0x0];
	s2 =	simm.s32 $0x0;
	s10 =	simm.s32 $0x1000  }
0x3: {  	s11 =	simm.s32 $0x6000;
	s4 =	sand.u32 $0x1, s1;
	s1 =	rddreg [dreg:$0x1]  }
0x4: {  	s12 =	simm.s32 $0x0;
	s5 =	sshll.u32 s0, $0x1;
	[smem:$0x7FF] =	sst s2  }
0x5: {  	s8 =	sshll.u32 s0, $0xA;
	s5 =	sor.u32 s4, s5;
	_ =	strace $0x8000004A  }
0x6: {  	s4 =	ssub.s32 $0x2, s4;
	s8 =	sand.u32 $0x3000, s8;
	s6 =	smul.u32 $0xA00, s5  }
0x7: {  	s7 =	smul.u32 $0x2800, s5;
	s5 =	sshll.u32 s5, $0x4;
	s9 =	sshrl.u32 s4, $0x1  }
0x8: {  	s8 =	sadd.s32 s3, s8;
	s5 =	sand.u32 $0x70, s5;
	s9 =	ssub.s32 s4, s9  }
0x9: {  	s6 =	sadd.s32 s6, s3;
	s7 =	sadd.s32 s7, s3;
	s3 =	sadd.s32 s5, s8  }
0xa: {  	s8 =	simm.s32 $0x400;
	s4 =	sadd.s32 $0x408000, s6;
	s5 =	sadd.s32 $0x41C000, s7  }
0xb: {  	s6 =	smax.u32 s9, $0x1;
	s7 =	simm.s32 $0x80;
	s9 =	simm.s32 $0x1  }
.LBB2_1:
0xc: {  	[tilespmem:s2], [sflag:$0x1] =	stream.strided.gather [hbm4b:s3+s7], $0x1000, s8, s7, $0x38;
	[tilespmem:$0x1A000] =	vst v63  }
0xd: {  	_ =	swait.ge [sflag:s9], $0x1000  }
0xe: {  	[sflag:s9] =	ssyncset.done $0x0  }
0xf: {  	[sflag:s9] =	ssyncadd.s32 $0xFFFFF000  }
0x10: {  	[tilespmem:s10], [sflag:$0x1] =	stream.linear.gather [hbm4b:s4+s2], $0x5000, $0x38;
	[tilespmem:$0x1A000] =	vst v63  }
0x11: {  	_ =	swait.ge [sflag:s9], $0x5000  }
0x12: {  	[sflag:s9] =	ssyncset.done $0x0  }
0x13: {  	s13 =	simm.s32 $0x0;
	[sflag:s9] =	ssyncadd.s32 $0xFFFFB000  }
0x14: {  	v0 =	vld [tilespmem:s13+$0x1000];
	_ =	sdelay $0x4  }
0x15: {  	v0 =	vshll.u32 v0, $0x2;
	_ =	sdelay $0x4  }
0x16: {  	v1 =	vld.idx.msk [tilespmem:v0+s2+$0x0], $0xffff  }
0x17: {  	v2 =	vor.u32 $0x1, v0;
	_ =	sdelay $0x1  }
0x18: {  	s31 =	sand.u32 $0x70, s2;
	s14 =	sand.u32 $0x1FE00, s2  }
0x19: {  	s16 =	sor.u32 s31, s14  }
0x1a: {  	[tilespmem:s16+$0x6000] =	vst v1  }
0x1b: {  	v1 =	vld.idx.msk [tilespmem:v2+s2+$0x0], $0xffff  }
0x1c: {  	v0 =	vor.u32 $0x2, v0;
	_ =	sdelay $0x3  }
0x1d: {  	[tilespmem:s16+$0x6080] =	vst v1  }
0x1e: {  	v0 =	vld.idx.msk [tilespmem:v0+s2+$0x0], $0xffff;
	_ =	sdelay $0x2  }
0x1f: {  	s15 =	simm.s32 $0x20;
	s14 =	simm.s32 $0x40;
	s13 =	simm.s32 $0x10  }
.LBB2_2:
0x20: {  	p0 =	sne.s32 s15, $0x4FF0  }
0x21: {  	s17 =	sshra.s32 s14, $0x2;
	[tilespmem:s16+$0x6100] =	vst v0;
	s16 =	smov.u32 s15;
	s15 =	sadd.s32 $0x10, s15  }
0x22: {  	v0 =	vld [tilespmem:s17+$0x1000];
	_ =	sdelay $0x4  }
0x23: {  	v0 =	vshll.u32 v0, $0x2;
	_ =	sdelay $0x4  }
0x24: {  	v1 =	vld.idx.msk [tilespmem:v0+s2+$0x0], $0xffff;
	_ =	sdelay $0x1  }
0x25: {  	v2 =	vor.u32 $0x1, v0;
	_ =	sdelay $0x1  }
0x26: {  	s18 =	sand.u32 $0x1FE00, s14;
	s17 =	sand.u32 $0x70, s13;
	s13 =	smov.u32 s16  }
0x27: {  	s16 =	sor.u32 s17, s18  }
0x28: {  	[tilespmem:s16+$0x6000] =	vst v1  }
0x29: {  	v1 =	vld.idx.msk [tilespmem:v2+s2+$0x0], $0xffff;
	_ =	sdelay $0x1  }
0x2a: {  	v0 =	vor.u32 $0x2, v0;
	_ =	sdelay $0x3  }
0x2b: {  	[tilespmem:s16+$0x6080] =	vst v1  }
0x2c: {  	v0 =	vld.idx.msk [tilespmem:v0+s2+$0x0], $0xffff  }
.Ltmp0:
0x2d: {  	(pc) =	sbr.rel @p0 .LBB2_2-.Ltmp0, $2  }
0x2e: {  	_ =	sdelay $0x2  }
0x2f: {  	s14 =	sadd.s32 $0x40, s14  }
0x30: {  	s15 =	sshra.s32 s14, $0x2;
	[tilespmem:s16+$0x6100] =	vst v0  }
0x31: {  	v0 =	vld [tilespmem:s15+$0x1000];
	_ =	sdelay $0x4  }
0x32: {  	v0 =	vshll.u32 v0, $0x2;
	_ =	sdelay $0x4  }
0x33: {  	v1 =	vld.idx.msk [tilespmem:v0+s2+$0x0], $0xffff  }
0x34: {  	v2 =	vor.u32 $0x1, v0;
	_ =	sdelay $0x1  }
0x35: {  	s13 =	sand.u32 $0x70, s13;
	s31 =	sand.u32 $0x1FE00, s14  }
0x36: {  	s13 =	sor.u32 s13, s31  }
0x37: {  	[tilespmem:s13+$0x6000] =	vst v1  }
0x38: {  	v1 =	vld.idx.msk [tilespmem:v2+s2+$0x0], $0xffff  }
0x39: {  	v0 =	vor.u32 $0x2, v0;
	_ =	sdelay $0x3  }
0x3a: {  	[tilespmem:s13+$0x6080] =	vst v1  }
0x3b: {  	v0 =	vld.idx.msk [tilespmem:v0+s2+$0x0], $0xffff;
	_ =	sdelay $0x2  }
0x3c: {  	s12 =	sadd.s32 $0x1, s12  }
0x3d: {  	p0 =	sne.s32 s12, s6  }
.Ltmp1:
0x3e: {  	[tilespmem:s13+$0x6100] =	vst v0;
	(pc) =	sbr.rel @p0 .LBB2_1-.Ltmp1, $4  }
0x3f: {  	[hbm4b:s5+s2] =	stream.linear.scatter [tilespmem:s11], [sflag:$0x1], $0x14000, $0x38;
	[tilespmem:$0x1A000] =	vst v63  }
0x40: {  	_ =	swait.ge [sflag:s9], $0x14000  }
0x41: {  	[sflag:s9] =	ssyncset.done $0x0  }
0x42: {  	[sflag:s9] =	ssyncadd.s32 $0xFFFEC000  }
0x43: {  	_ =	sfence.sel $0x180000  }
0x44: {  	[bflag:$0x0] =	sbarrier.arrive $0xFFFF  }
0x45: {  	p0 =	sne.s32 s0, $0x0;
	_ =	strace $0x9000004A  }
0x46: {  	s0 =	sadd.s32 @!p0 $0x100000, s1;
	[bflag:$0x2] =	sbarrier.arrive $0xFFFF  }
0x47: {  	[sflag:s0] =	ssyncadd.tile.s32 @!p0 $0x1;
	_ =	shalt  }
.Lfunc_end2:
_tile_overlayer_lowered:
.L_overlay_start_2:
0x48: {  	(tag) =	ssettag $0x2  }
0x49: {  	s0 =	rddreg [dreg:$0x0];
	s2 =	stileid.u32  }
0x4a: {  	s1 =	rddreg [dreg:$0x1];
	p0 =	sne.s32 s2, $0x0  }
0x4b: {  	s3 =	rddreg [dreg:$0x2];
	[bflag:$0x3] =	sbarrier.arrive $0xFFFF;
	s2 =	simm.s32 @!p0 $0x1C01  }
0x4c: {  	[timem:s3], [sflag:s2] =	dma.local @!p0 [hbm:s0], s1  }
0x4d: {  	s0 =	simm.s32 @!p0 $0x1  }
0x4e: {  	_ =	swait.ge @!p0 [sflag:s0], s1  }
0x4f: {  	s1 =	ssub.s32 @!p0 $0x0, s1;
	[sflag:s0] =	ssyncset.done @!p0 $0x0  }
0x50: {  	[sflag:s0] =	ssyncadd.s32 @!p0 s1  }
0x51: {  	[bflag:$0x3] =	sbarrier.arrive $0xFFFF  }
0x52: {  	_ =	shalt  }

// kernel: sparse-core-data-format-call.1.cloned.1.call-start
scs
called_computation.1_lowered:
.L_overlay_start_0:
0x0: {  	s1 =	sld [smem:$0x3FD9]  }
0x1: {  	s2 =	sld [smem:$0x3FFE];
	_ =	sdelay $0x1  }
0x2: {  	s3 =	srdreg.scid  }
0x3: {  	s0 =	sand.u32 $0x1, s3  }
0x4: {  	s17 =	sshll.u32 s0, $0xA;
	s1 =	sadd.s32 s2, s1  }
0x5: {  	s1 =	sadd.s32 s1, s17  }
0x6: {  	[smem:$0x3FB8] =	sst s1  }
0x7: {  	_ = 	snop  }
0x8: {  	(tm) =	ssettm $0x1  }
0x9: {  	s18 =	sld [smem:$0x3FFB];
	_ =	sdelay $0x3  }
0xa: {  	_ =	strace s18  }
0xb: {  	s1 =	sld [smem:$0x3FFC];
	_ =	sdelay $0x3  }
0xc: {  	_ =	strace s1  }
0xd: {  	s1 =	sld [smem:$0x3FFD];
	_ =	sdelay $0x3  }
0xe: {  	_ =	strace s1  }
0xf: {  	_ =	strace $0x8FFFFFFF  }
0x10: {  	s19 =	sld [smem:$0x3FDB];
	_ =	sdelay $0x1  }
0x11: {  	s20 =	simm.s32 $_scs_section_size  }
0x12: {  	s4 =	simm.s32 $_size__tile_overlayer_lowered;
	s5 =	simm.s32 $_tile_overlayer_lowered  }
0x13: {  	s23 =	simm.s32 $0x1BFF;
	s22 =	sshll.u32 s5, $0x1;
	s1 =	sadd.s32 s20, s19  }
0x14: {  	s6 =	simm.s32 $0x0;
	s21 =	sshll.u32 s4, $0x1;
	s4 =	sadd.s32 s22, s1  }
0x15: {  	[timem:s6], [sflag:s23] =	dma.local [hbm:s4], s21  }
0x16: {  	_ =	swait.ge [sflag:s23], s21  }
0x17: {  	s2 =	ssub.s32 $0x0, s21;
	[sflag:s23] =	ssyncset.done $0x0  }
0x18: {  	[sflag:s23] =	ssyncadd.s32 s2;
	_ =	sdelay $0x1  }
0x19: {  	s24 =	simm.s32 $0x1B8B  }
0x1a: {  	_ =	swait.ge [sflag:s24], $0x1  }
0x1b: {  	[sflag:s24] =	ssyncset.done $0x0  }
0x1c: {  	s26 =	simm.s32 $0x1B8E;
	s25 =	sld [smem:$0x3FFE];
	[sflag:s24] =	ssyncadd.s32 $0xFFFFFFFF  }
0x1d: {  	s27 =	simm.s32 $execute0_lowered;
	[smem:$0x3FD2] =	sst s26  }
0x1e: {  	s4 =	sshll.u32 s27, $0x1;
	_ =	strace $0x80000046;
	[dreg:$0x1] =	wrdreg $0xFFFFFFFF  }
0x1f: {  	s28 =	simm.s32 $_size_execute0_lowered;
	s1 =	sadd.s32 s1, s4;
	[dreg:$0x0] =	wrdreg $0x0  }
0x20: {  	s4 =	sshll.u32 s28, $0x1;
	[dreg:$0x2] =	wrdreg s1  }
0x21: {  	[dreg:$0x3] =	wrdreg s4  }
0x22: {  	[dreg:$0x4] =	wrdreg $0xC0  }
0x23: {  	_ =	task [dreg:s6], $0x5FFFF  }
0x24: {  	[dreg:$0x1] =	wrdreg $0xFFFFFFFF  }
0x25: {  	[dreg:$0x0] =	wrdreg $0x60  }
0x26: {  	[dreg:$0x2] =	wrdreg s25  }
0x27: {  	[dreg:$0x3] =	wrdreg $0x9  }
0x28: {  	_ =	task.clear_ibuf [dreg:s6], $0x4FFFF;
	_ =	strace $0x90000046  }
0x29: {  	s29 =	simm.s32 $0x9;
	_ =	strace $0x80000048  }
0x2a: {  	_ =	swait.ge [sflag:s29], $0x1  }
0x2b: {  	[sflag:s29] =	ssyncadd.s32 $0xFFFFFFFF  }
0x2c: {  	_ =	strace $0x90000048  }
0x2d: {  	_ =	sfence  }
0x2e: {  	s30 =	sld [smem:$0x0];
	_ =	sdelay $0x2  }
0x2f: {  	s31 =	sshll.u32 s3, $0xD;
	s3 =	sshrl.u32 s3, $0x2  }
0x30: {  	s2 =	sand.u32 $0x4000, s31;
	s1 =	sadd.s32 s3, s30  }
0x31: {  	s0 =	sor.u32 s2, s0;
	s1 =	sshll.u32 s1, $0x11  }
0x32: {  	s0 =	sor.u32 s1, s0  }
0x33: {  	s0 =	sadd.s32 $0x8F2B, s0  }
0x34: {  	[sflag:s0] =	ssyncadd.remote.s32 $0x1  }
0x35: {  	_ =	sfence.sel $0xFFFF  }
0x36: {  	[dreg:$0x0] =	wrdreg $0xFFFFFFFF;
	(pc) =	sbr.abs _section_cstart, $3  }
0x37: {  	[dreg:$0x1] =	wrdreg $0xFFFFFFFF  }
0x38: {  	_ =	task.clear_ibuf [dreg:s6], $0x2FFFF;
	_ =	strace $0x9FFFFFFF  }
0x39: {  	(tm) =	ssettm $0x7FFFFFFF  }
tec
execute0_lowered:
.L_overlay_start_1:
0x0: {  	(tag) =	ssettag $0x1  }
0x1: {  	s1 =	rddreg [dreg:$0x0]  }
0x2: {  	s0 =	rddreg [dreg:$0x1];
	_ =	strace $0x80000047  }
0x3: {  	s4 =	srdreg.scid;
	s6 =	simm.s32 $0x2;
	s13 =	simm.s32 $0x0  }
0x4: {  	p0 =	por $0x0, $0x0;
	s11 =	simm.s32 $0x0;
	s12 =	simm.s32 $0x0  }
.Ltmp0:
0x5: {  	s8 =	simm.s32 $0x0;
	s9 =	simm.s32 $0x0;
	(pc) =	sbr.rel .LBB1_1-.Ltmp0, $4  }
0x6: {  	s2 =	sadd.s32 $0x8000, s1;
	s3 =	sadd.s32 $0x408000, s1;
	s4 =	sshll.u32 s4, $0x4  }
0x7: {  	s1 =	stileid.u32;
	s5 =	sand.u32 $0x10, s4;
	s4 =	simm.s32 $0x1  }
0x8: {  	s7 =	simm.s32 $0x0;
	s5 =	sor.u32 s1, s5;
	[sflag:s4] =	ssyncpa.u1 $0x0  }
0x9: {  	[sflag:s6] =	ssyncpa.u1 $0x0;
	s6 =	simm.s32 $0x2000;
	s10 =	smov.u32 s5  }
.LBB1_5:
0xa: {  	s14 =	sadd.s32 $0x80, s8  }
0xb: {  	s11 =	sadd.s32 $0x80, s9;
	s15 =	smov.u32 s9;
	p2 =	sgt.s32 s14, $0x3FF  }
0xc: {  	s15 =	smov.u32 @p2 s11  }
0xd: {  	s17 =	smov.u32 s10;
	s11 =	sadd.s32 $0x20, s10;
	p3 =	sgt.s32 s15, $0x3FF  }
0xe: {  	p1 =	slt.u32 s7, $0x2;
	s17 =	smov.u32 @p3 s11  }
0xf: {  	s7 =	sadd.s32 $0x1, s7;
	s14 =	simm.s32 @p2 $0x0;
	p2 =	sgt.s32 s17, $0x1F  }
0x10: {  	s17 =	smov.u32 @p2 s5;
	p2 =	sne.s32 s7, $0x42  }
.Ltmp1:
0x11: {  	s16 =	simm.s32 @!p1 $0x2;
	(pc) =	sbr.rel @!p2 .LBB1_6-.Ltmp1, $4  }
0x12: {  	s13 =	smov.u32 s8;
	_ =	swait.ge @!p1 [sflag:s16], $0x4000  }
0x13: {  	s12 =	smov.u32 s10;
	p0 =	por !p0, !p0;
	[sflag:s16] =	ssyncset.done @!p1 $0x0  }
0x14: {  	s8 =	smov.u32 s14;
	s15 =	simm.s32 @p3 $0x0;
	s11 =	smov.u32 s9  }
0x15: {  	[sflag:s16] =	ssyncadd.s32 @!p1 $0xFFFFC000;
	s9 =	smov.u32 s15;
	s10 =	smov.u32 s17  }
.LBB1_1:
0x16: {  	p1 =	sgt.u32 s7, $0x3F  }
0x17: {  	s14 =	sshll.u32 @!p1 s9, $0x7  }
0x18: {  	s15 =	sxor.u32 @!p1 $0xFFFFFFFF, s7;
	s16 =	sand.u32 @!p1 $0x78, s8;
	s17 =	sand.u32 @!p1 $0x380, s14  }
0x19: {  	s15 =	sshll.u32 @!p1 s15, $0xE;
	s16 =	sor.u32 @!p1 s16, s17;
	s17 =	sshll.u32 @!p1 s10, $0x11  }
0x1a: {  	s14 =	sand.u32 @!p1 $0x1FC00, s14;
	s16 =	sshrl.u32 @!p1 s16, $0x3;
	s17 =	sadd.s32 @!p1 s2, s17  }
0x1b: {  	s14 =	sadd.s32 @!p1 s8, s14;
	s16 =	sadd.s32 @!p1 s16, s17;
	s17 =	sand.u32 @!p1 $0x7, s8  }
0x1c: {  	s15 =	sand.u32 @!p1 $0x4000, s15;
	s14 =	sand.u32 @!p1 $0x1FF80, s14;
	s17 =	sshll.u32 @!p1 s17, $0x12  }
0x1d: {  	s14 =	sadd.s32 @!p1 s14, s16;
	s16 =	sor.u32 @!p1 $0x400, s17;
	s17 =	simm.s32 @!p1 $0x2000  }
0x1e: {  	[tilespmem:s15], [sflag:$0x1] =	stream.strided.gather @!p1 [hbm4b:s14+s16], $0x4000, s17, s16, $0x38;
	[tilespmem:$0x10100] =	vst v63  }
0x1f: {  	p1 =	seq.s32 s7, $0x0  }
0x20: {  	p2 =	seq.s32 @!p1 s7, $0x41  }
0x21: {  	p1 =	por p1, p2  }
.Ltmp2:
0x22: {  	_ = 	snop;
	(pc) =	sbr.rel @p1 .LBB1_5-.Ltmp2, $1  }
0x23: {  	_ =	sdelay $0x3  }
0x24: {  	s14 =	simm.s32 $0x1  }
0x25: {  	_ =	swait.ge [sflag:s4], $0x4000;
	s14 =	simm.s32 @!p0 $0x0  }
0x26: {  	[sflag:s4] =	ssyncset.done $0x0;
	s15 =	sshll.u32 s14, $0xE  }
0x27: {  	[sflag:s4] =	ssyncadd.s32 $0xFFFFC000;
	s17 =	sor.u32 $0x40, s15  }
0x28: {  	s14 =	smul.u32 $0x10200, s14;
	v0 =	vld [tilespmem:s17+$0x30]  }
0x29: {  	v3 =	vld [tilespmem:s17+$0xFFFFFFD0]  }
0x2a: {  	s14 =	sshrl.u32 s14, $0x2;
	v4 =	vld [tilespmem:s17+$0xFFFFFFE0]  }
0x2b: {  	v5 =	vld [tilespmem:s17+$0xFFFFFFF0];
	s15 =	sor.u32 $0x8000, s14  }
0x2c: {  	s31 =	sand.u32 $0x1, s7;
	v1 =	vld [tilespmem:s17+$0x0];
	s16 =	sadd.s32 $0x0, s15  }
0x2d: {  	v2 =	vld [tilespmem:s17+$0x10];
	s14 =	smul.u32 $0x10200, s31;
	[tilespmem:s16+$0x3870 ss:$0x81] =	vst.msk $0xffff, v0  }
0x2e: {  	[tilespmem:s16+$0x810 ss:$0x81] =	vst.msk $0xffff, v3;
	v3 =	vld [tilespmem:s17+$0x20]  }
0x2f: {  	s14 =	sshrl.u32 s14, $0x2;
	v0 =	vld [tilespmem:s17+$0xFFFFFFC0];
	[tilespmem:s16+$0x1020 ss:$0x81] =	vst.msk $0xffff, v4;
	s17 =	sadd.s32 $0x80, s17  }
0x30: {  	s18 =	simm.s32 $0x4;
	s19 =	simm.s32 $0x8;
	s14 =	sor.u32 $0x8000, s14;
	[tilespmem:s16+$0x1830 ss:$0x81] =	vst.msk $0xffff, v5;
	v4 =	vld [tilespmem:s17+$0x30]  }
.LBB1_3:
0x31: {  	p1 =	sne.s32 s19, $0x1FC;
	v5 =	vld [tilespmem:s17+$0xFFFFFFD0];
	[tilespmem:s16+$0x2040 ss:$0x81] =	vst.msk $0xffff, v1  }
0x32: {  	v6 =	vld [tilespmem:s17+$0xFFFFFFE0];
	[tilespmem:s16+$0x2850 ss:$0x81] =	vst.msk $0xffff, v2  }
0x33: {  	s20 =	sshra.s32 s18, $0x2;
	s18 =	smov.u32 s19;
	v7 =	vld [tilespmem:s17+$0xFFFFFFF0];
	[tilespmem:s16+$0x3060 ss:$0x81] =	vst.msk $0xffff, v3  }
.Ltmp3:
0x34: {  	v1 =	vld [tilespmem:s17+$0x0];
	[tilespmem:s16+$0x0 ss:$0x81] =	vst.msk $0xffff, v0;
	s16 =	sadd.s32 s20, s15;
	(pc) =	sbr.rel @p1 .LBB1_3-.Ltmp3, $4  }
0x35: {  	v2 =	vld [tilespmem:s17+$0x10];
	[tilespmem:s16+$0x3870 ss:$0x81] =	vst.msk $0xffff, v4  }
0x36: {  	[tilespmem:s16+$0x810 ss:$0x81] =	vst.msk $0xffff, v5;
	v3 =	vld [tilespmem:s17+$0x20]  }
0x37: {  	v0 =	vld [tilespmem:s17+$0xFFFFFFC0];
	[tilespmem:s16+$0x1020 ss:$0x81] =	vst.msk $0xffff, v6;
	s17 =	sadd.s32 $0x80, s17  }
0x38: {  	s19 =	sadd.s32 $0x4, s19;
	v4 =	vld [tilespmem:s17+$0x30];
	[tilespmem:s16+$0x1830 ss:$0x81] =	vst.msk $0xffff, v7  }
0x39: {  	v5 =	vld [tilespmem:s17+$0xFFFFFFD0];
	[tilespmem:s16+$0x2040 ss:$0x81] =	vst.msk $0xffff, v1  }
0x3a: {  	v58 =	vld [tilespmem:s17+$0xFFFFFFE0];
	[tilespmem:s16+$0x2850 ss:$0x81] =	vst.msk $0xffff, v2  }
0x3b: {  	s18 =	sshra.s32 s18, $0x2;
	v59 =	vld [tilespmem:s17+$0xFFFFFFF0];
	[tilespmem:s16+$0x3060 ss:$0x81] =	vst.msk $0xffff, v3  }
0x3c: {  	v60 =	vld [tilespmem:s17+$0x0];
	s15 =	sadd.s32 s18, s15;
	[tilespmem:s16+$0x0 ss:$0x81] =	vst.msk $0xffff, v0  }
0x3d: {  	v61 =	vld [tilespmem:s17+$0x10];
	[tilespmem:s15+$0x3870 ss:$0x81] =	vst.msk $0xffff, v4  }
0x3e: {  	v62 =	vld [tilespmem:s17+$0x20];
	s26 =	sshll.u32 s13, $0xA;
	s27 =	sshll.u32 s11, $0x3;
	s29 =	sshll.u32 s13, $0x7;
	[tilespmem:s15+$0x810 ss:$0x81] =	vst.msk $0xffff, v5  }
0x3f: {  	v63 =	vld [tilespmem:s17+$0xFFFFFFC0];
	s30 =	sand.u32 $0x78, s11;
	s12 =	sshll.u32 s12, $0x11;
	s31 =	sand.u32 $0x7, s11;
	[tilespmem:s15+$0x1020 ss:$0x81] =	vst.msk $0xffff, v58  }
0x40: {  	s28 =	sand.u32 $0xFFC00, s27;
	s13 =	sand.u32 $0x380, s29;
	s16 =	sand.u32 $0xFE000, s26;
	[tilespmem:s15+$0x1830 ss:$0x81] =	vst.msk $0xffff, v59  }
.Ltmp4:
0x41: {  	s13 =	sor.u32 s30, s13;
	s16 =	sadd.s32 s28, s16;
	[tilespmem:s15+$0x2040 ss:$0x81] =	vst.msk $0xffff, v60;
	(pc) =	sbr.rel .LBB1_5-.Ltmp4, $4  }
0x42: {  	s12 =	sadd.s32 s3, s12;
	s13 =	sshrl.u32 s13, $0x3;
	s16 =	sshrl.u32 s16, $0x3;
	[tilespmem:s15+$0x2850 ss:$0x81] =	vst.msk $0xffff, v61  }
0x43: {  	s11 =	sshll.u32 s31, $0x12;
	s12 =	sadd.s32 s13, s12;
	[tilespmem:s15+$0x3060 ss:$0x81] =	vst.msk $0xffff, v62;
	s16 =	sand.u32 $0x1FF80, s16  }
0x44: {  	s11 =	sor.u32 $0x400, s11;
	[tilespmem:s15+$0x0 ss:$0x81] =	vst.msk $0xffff, v63;
	s12 =	sadd.s32 s16, s12  }
0x45: {  	[hbm4b:s12+s11] =	stream.strided.scatter [tilespmem:s14], [sflag:$0x2], $0x4000, s6, s11, $0x20;
	[tilespmem:$0x10100] =	vst v63  }
.LBB1_6:
0x46: {  	_ =	sfence.sel $0x180000  }
0x47: {  	s2 =	simm.s32 $0x1;
	[bflag:$0x0] =	sbarrier.arrive $0xFFFF  }
0x48: {  	s31 =	simm.s32 $0x2;
	[sflag:s2] =	ssyncpa.u1 $0x1  }
0x49: {  	[sflag:s31] =	ssyncpa.u1 $0x1  }
0x4a: {  	p0 =	sne.s32 s1, $0x0;
	_ =	strace $0x90000047  }
0x4b: {  	s0 =	sadd.s32 @!p0 $0x100000, s0;
	[bflag:$0x2] =	sbarrier.arrive $0xFFFF  }
0x4c: {  	[sflag:s0] =	ssyncadd.tile.s32 @!p0 $0x1;
	_ =	shalt  }
.Lfunc_end1:
_tile_overlayer_lowered:
.L_overlay_start_2:
0x4d: {  	(tag) =	ssettag $0x2  }
0x4e: {  	s0 =	rddreg [dreg:$0x0];
	s2 =	stileid.u32  }
0x4f: {  	s1 =	rddreg [dreg:$0x1];
	p0 =	sne.s32 s2, $0x0  }
0x50: {  	s3 =	rddreg [dreg:$0x2];
	[bflag:$0x3] =	sbarrier.arrive $0xFFFF;
	s2 =	simm.s32 @!p0 $0x1C01  }
0x51: {  	[timem:s3], [sflag:s2] =	dma.local @!p0 [hbm:s0], s1  }
0x52: {  	s0 =	simm.s32 @!p0 $0x1  }
0x53: {  	_ =	swait.ge @!p0 [sflag:s0], s1  }
0x54: {  	s1 =	ssub.s32 @!p0 $0x0, s1;
	[sflag:s0] =	ssyncset.done @!p0 $0x0  }
0x55: {  	[sflag:s0] =	ssyncadd.s32 @!p0 s1  }
0x56: {  	[bflag:$0x3] =	sbarrier.arrive $0xFFFF  }
0x57: {  	_ =	shalt  }

// kernel: sparse-core-data-format-call.cloned.1.call-start
scs
called_computation_lowered:
.L_overlay_start_0:
0x0: {  	s1 =	sld [smem:$0x3FD9]  }
0x1: {  	s2 =	sld [smem:$0x3FFE];
	_ =	sdelay $0x1  }
0x2: {  	s3 =	srdreg.scid  }
0x3: {  	s0 =	sand.u32 $0x1, s3  }
0x4: {  	s17 =	sshll.u32 s0, $0xA;
	s1 =	sadd.s32 s2, s1  }
0x5: {  	s1 =	sadd.s32 s1, s17  }
0x6: {  	[smem:$0x3FB8] =	sst s1  }
0x7: {  	_ = 	snop  }
0x8: {  	(tm) =	ssettm $0x1  }
0x9: {  	s18 =	sld [smem:$0x3FFB];
	_ =	sdelay $0x3  }
0xa: {  	_ =	strace s18  }
0xb: {  	s1 =	sld [smem:$0x3FFC];
	_ =	sdelay $0x3  }
0xc: {  	_ =	strace s1  }
0xd: {  	s1 =	sld [smem:$0x3FFD];
	_ =	sdelay $0x3  }
0xe: {  	_ =	strace s1  }
0xf: {  	_ =	strace $0x8FFFFFFF  }
0x10: {  	s19 =	sld [smem:$0x3FDB];
	_ =	sdelay $0x1  }
0x11: {  	s20 =	simm.s32 $_scs_section_size  }
0x12: {  	s4 =	simm.s32 $_size__tile_overlayer_lowered;
	s5 =	simm.s32 $_tile_overlayer_lowered  }
0x13: {  	s23 =	simm.s32 $0x1BFF;
	s22 =	sshll.u32 s5, $0x1;
	s1 =	sadd.s32 s20, s19  }
0x14: {  	s6 =	simm.s32 $0x0;
	s21 =	sshll.u32 s4, $0x1;
	s4 =	sadd.s32 s22, s1  }
0x15: {  	[timem:s6], [sflag:s23] =	dma.local [hbm:s4], s21  }
0x16: {  	_ =	swait.ge [sflag:s23], s21  }
0x17: {  	s2 =	ssub.s32 $0x0, s21;
	[sflag:s23] =	ssyncset.done $0x0  }
0x18: {  	[sflag:s23] =	ssyncadd.s32 s2;
	_ =	sdelay $0x1  }
0x19: {  	s24 =	simm.s32 $0x1B8B  }
0x1a: {  	_ =	swait.ge [sflag:s24], $0x1  }
0x1b: {  	[sflag:s24] =	ssyncset.done $0x0  }
0x1c: {  	s26 =	simm.s32 $0x1B8E;
	s25 =	sld [smem:$0x3FFE];
	[sflag:s24] =	ssyncadd.s32 $0xFFFFFFFF  }
0x1d: {  	s27 =	simm.s32 $execute0_lowered;
	[smem:$0x3FD2] =	sst s26  }
0x1e: {  	s4 =	sshll.u32 s27, $0x1;
	_ =	strace $0x8000004C;
	[dreg:$0x1] =	wrdreg $0xFFFFFFFF  }
0x1f: {  	s28 =	simm.s32 $_size_execute0_lowered;
	s1 =	sadd.s32 s1, s4;
	[dreg:$0x0] =	wrdreg $0x0  }
0x20: {  	s4 =	sshll.u32 s28, $0x1;
	[dreg:$0x2] =	wrdreg s1  }
0x21: {  	[dreg:$0x3] =	wrdreg s4  }
0x22: {  	[dreg:$0x4] =	wrdreg $0xC0  }
0x23: {  	_ =	task [dreg:s6], $0x5FFFF  }
0x24: {  	[dreg:$0x1] =	wrdreg $0xFFFFFFFF  }
0x25: {  	[dreg:$0x0] =	wrdreg $0x60  }
0x26: {  	[dreg:$0x2] =	wrdreg s25  }
0x27: {  	[dreg:$0x3] =	wrdreg $0x9  }
0x28: {  	_ =	task.clear_ibuf [dreg:s6], $0x4FFFF;
	_ =	strace $0x9000004C  }
0x29: {  	s29 =	simm.s32 $0x9;
	_ =	strace $0x8000004E  }
0x2a: {  	_ =	swait.ge [sflag:s29], $0x1  }
0x2b: {  	[sflag:s29] =	ssyncadd.s32 $0xFFFFFFFF  }
0x2c: {  	_ =	strace $0x9000004E  }
0x2d: {  	_ =	sfence  }
0x2e: {  	s30 =	sld [smem:$0x0];
	_ =	sdelay $0x2  }
0x2f: {  	s31 =	sshll.u32 s3, $0xD;
	s3 =	sshrl.u32 s3, $0x2  }
0x30: {  	s2 =	sand.u32 $0x4000, s31;
	s1 =	sadd.s32 s3, s30  }
0x31: {  	s0 =	sor.u32 s2, s0;
	s1 =	sshll.u32 s1, $0x11  }
0x32: {  	s0 =	sor.u32 s1, s0  }
0x33: {  	s0 =	sadd.s32 $0x8F2B, s0  }
0x34: {  	[sflag:s0] =	ssyncadd.remote.s32 $0x1  }
0x35: {  	_ =	sfence.sel $0xFFFF  }
0x36: {  	[dreg:$0x0] =	wrdreg $0xFFFFFFFF;
	(pc) =	sbr.abs _section_cstart, $3  }
0x37: {  	[dreg:$0x1] =	wrdreg $0xFFFFFFFF  }
0x38: {  	_ =	task.clear_ibuf [dreg:s6], $0x2FFFF;
	_ =	strace $0x9FFFFFFF  }
0x39: {  	(tm) =	ssettm $0x7FFFFFFF  }
tec
execute0_lowered:
.L_overlay_start_1:
0x0: {  	(tag) =	ssettag $0x1  }
0x1: {  	s1 =	rddreg [dreg:$0x0]  }
0x2: {  	s0 =	rddreg [dreg:$0x1];
	_ =	strace $0x8000004D  }
0x3: {  	s4 =	srdreg.scid;
	s6 =	simm.s32 $0x2;
	s13 =	simm.s32 $0x0  }
0x4: {  	p0 =	por $0x0, $0x0;
	s11 =	simm.s32 $0x0;
	s12 =	simm.s32 $0x0  }
.Ltmp0:
0x5: {  	s8 =	simm.s32 $0x0;
	s9 =	simm.s32 $0x0;
	(pc) =	sbr.rel .LBB1_1-.Ltmp0, $4  }
0x6: {  	s2 =	sadd.s32 $0x488000, s1;
	s3 =	sadd.s32 $0x888000, s1;
	s4 =	sshll.u32 s4, $0x4  }
0x7: {  	s1 =	stileid.u32;
	s5 =	sand.u32 $0x10, s4;
	s4 =	simm.s32 $0x1  }
0x8: {  	s7 =	simm.s32 $0x0;
	s5 =	sor.u32 s1, s5;
	[sflag:s4] =	ssyncpa.u1 $0x0  }
0x9: {  	[sflag:s6] =	ssyncpa.u1 $0x0;
	s6 =	simm.s32 $0x2000;
	s10 =	smov.u32 s5  }
.LBB1_5:
0xa: {  	s14 =	sadd.s32 $0x80, s8  }
0xb: {  	s11 =	sadd.s32 $0x80, s9;
	s15 =	smov.u32 s9;
	p2 =	sgt.s32 s14, $0x3FF  }
0xc: {  	s15 =	smov.u32 @p2 s11  }
0xd: {  	s17 =	smov.u32 s10;
	s11 =	sadd.s32 $0x20, s10;
	p3 =	sgt.s32 s15, $0x3FF  }
0xe: {  	p1 =	slt.u32 s7, $0x2;
	s17 =	smov.u32 @p3 s11  }
0xf: {  	s7 =	sadd.s32 $0x1, s7;
	s14 =	simm.s32 @p2 $0x0;
	p2 =	sgt.s32 s17, $0x1F  }
0x10: {  	s17 =	smov.u32 @p2 s5;
	p2 =	sne.s32 s7, $0x42  }
.Ltmp1:
0x11: {  	s16 =	simm.s32 @!p1 $0x2;
	(pc) =	sbr.rel @!p2 .LBB1_6-.Ltmp1, $4  }
0x12: {  	s13 =	smov.u32 s8;
	_ =	swait.ge @!p1 [sflag:s16], $0x4000  }
0x13: {  	s12 =	smov.u32 s10;
	p0 =	por !p0, !p0;
	[sflag:s16] =	ssyncset.done @!p1 $0x0  }
0x14: {  	s8 =	smov.u32 s14;
	s15 =	simm.s32 @p3 $0x0;
	s11 =	smov.u32 s9  }
0x15: {  	[sflag:s16] =	ssyncadd.s32 @!p1 $0xFFFFC000;
	s9 =	smov.u32 s15;
	s10 =	smov.u32 s17  }
.LBB1_1:
0x16: {  	p1 =	sgt.u32 s7, $0x3F  }
0x17: {  	s14 =	sshll.u32 @!p1 s9, $0x7  }
0x18: {  	s15 =	sxor.u32 @!p1 $0xFFFFFFFF, s7;
	s16 =	sand.u32 @!p1 $0x78, s8;
	s17 =	sand.u32 @!p1 $0x380, s14  }
0x19: {  	s15 =	sshll.u32 @!p1 s15, $0xE;
	s16 =	sor.u32 @!p1 s16, s17;
	s17 =	sshll.u32 @!p1 s10, $0x11  }
0x1a: {  	s14 =	sand.u32 @!p1 $0x1FC00, s14;
	s16 =	sshrl.u32 @!p1 s16, $0x3;
	s17 =	sadd.s32 @!p1 s2, s17  }
0x1b: {  	s14 =	sadd.s32 @!p1 s8, s14;
	s16 =	sadd.s32 @!p1 s16, s17;
	s17 =	sand.u32 @!p1 $0x7, s8  }
0x1c: {  	s15 =	sand.u32 @!p1 $0x4000, s15;
	s14 =	sand.u32 @!p1 $0x1FF80, s14;
	s17 =	sshll.u32 @!p1 s17, $0x12  }
0x1d: {  	s14 =	sadd.s32 @!p1 s14, s16;
	s16 =	sor.u32 @!p1 $0x400, s17;
	s17 =	simm.s32 @!p1 $0x2000  }
0x1e: {  	[tilespmem:s15], [sflag:$0x1] =	stream.strided.gather @!p1 [hbm4b:s14+s16], $0x4000, s17, s16, $0x38;
	[tilespmem:$0x10100] =	vst v63  }
0x1f: {  	p1 =	seq.s32 s7, $0x0  }
0x20: {  	p2 =	seq.s32 @!p1 s7, $0x41  }
0x21: {  	p1 =	por p1, p2  }
.Ltmp2:
0x22: {  	_ = 	snop;
	(pc) =	sbr.rel @p1 .LBB1_5-.Ltmp2, $1  }
0x23: {  	_ =	sdelay $0x3  }
0x24: {  	s14 =	simm.s32 $0x1  }
0x25: {  	_ =	swait.ge [sflag:s4], $0x4000;
	s14 =	simm.s32 @!p0 $0x0  }
0x26: {  	[sflag:s4] =	ssyncset.done $0x0;
	s15 =	sshll.u32 s14, $0xE  }
0x27: {  	[sflag:s4] =	ssyncadd.s32 $0xFFFFC000;
	s17 =	sor.u32 $0x40, s15  }
0x28: {  	s14 =	smul.u32 $0x10200, s14;
	v0 =	vld [tilespmem:s17+$0x30]  }
0x29: {  	v3 =	vld [tilespmem:s17+$0xFFFFFFD0]  }
0x2a: {  	s14 =	sshrl.u32 s14, $0x2;
	v4 =	vld [tilespmem:s17+$0xFFFFFFE0]  }
0x2b: {  	v5 =	vld [tilespmem:s17+$0xFFFFFFF0];
	s15 =	sor.u32 $0x8000, s14  }
0x2c: {  	s31 =	sand.u32 $0x1, s7;
	v1 =	vld [tilespmem:s17+$0x0];
	s16 =	sadd.s32 $0x0, s15  }
0x2d: {  	v2 =	vld [tilespmem:s17+$0x10];
	s14 =	smul.u32 $0x10200, s31;
	[tilespmem:s16+$0x3870 ss:$0x81] =	vst.msk $0xffff, v0  }
0x2e: {  	[tilespmem:s16+$0x810 ss:$0x81] =	vst.msk $0xffff, v3;
	v3 =	vld [tilespmem:s17+$0x20]  }
0x2f: {  	s14 =	sshrl.u32 s14, $0x2;
	v0 =	vld [tilespmem:s17+$0xFFFFFFC0];
	[tilespmem:s16+$0x1020 ss:$0x81] =	vst.msk $0xffff, v4;
	s17 =	sadd.s32 $0x80, s17  }
0x30: {  	s18 =	simm.s32 $0x4;
	s19 =	simm.s32 $0x8;
	s14 =	sor.u32 $0x8000, s14;
	[tilespmem:s16+$0x1830 ss:$0x81] =	vst.msk $0xffff, v5;
	v4 =	vld [tilespmem:s17+$0x30]  }
.LBB1_3:
0x31: {  	p1 =	sne.s32 s19, $0x1FC;
	v5 =	vld [tilespmem:s17+$0xFFFFFFD0];
	[tilespmem:s16+$0x2040 ss:$0x81] =	vst.msk $0xffff, v1  }
0x32: {  	v6 =	vld [tilespmem:s17+$0xFFFFFFE0];
	[tilespmem:s16+$0x2850 ss:$0x81] =	vst.msk $0xffff, v2  }
0x33: {  	s20 =	sshra.s32 s18, $0x2;
	s18 =	smov.u32 s19;
	v7 =	vld [tilespmem:s17+$0xFFFFFFF0];
	[tilespmem:s16+$0x3060 ss:$0x81] =	vst.msk $0xffff, v3  }
.Ltmp3:
0x34: {  	v1 =	vld [tilespmem:s17+$0x0];
	[tilespmem:s16+$0x0 ss:$0x81] =	vst.msk $0xffff, v0;
	s16 =	sadd.s32 s20, s15;
	(pc) =	sbr.rel @p1 .LBB1_3-.Ltmp3, $4  }
0x35: {  	v2 =	vld [tilespmem:s17+$0x10];
	[tilespmem:s16+$0x3870 ss:$0x81] =	vst.msk $0xffff, v4  }
0x36: {  	[tilespmem:s16+$0x810 ss:$0x81] =	vst.msk $0xffff, v5;
	v3 =	vld [tilespmem:s17+$0x20]  }
0x37: {  	v0 =	vld [tilespmem:s17+$0xFFFFFFC0];
	[tilespmem:s16+$0x1020 ss:$0x81] =	vst.msk $0xffff, v6;
	s17 =	sadd.s32 $0x80, s17  }
0x38: {  	s19 =	sadd.s32 $0x4, s19;
	v4 =	vld [tilespmem:s17+$0x30];
	[tilespmem:s16+$0x1830 ss:$0x81] =	vst.msk $0xffff, v7  }
0x39: {  	v5 =	vld [tilespmem:s17+$0xFFFFFFD0];
	[tilespmem:s16+$0x2040 ss:$0x81] =	vst.msk $0xffff, v1  }
0x3a: {  	v58 =	vld [tilespmem:s17+$0xFFFFFFE0];
	[tilespmem:s16+$0x2850 ss:$0x81] =	vst.msk $0xffff, v2  }
0x3b: {  	s18 =	sshra.s32 s18, $0x2;
	v59 =	vld [tilespmem:s17+$0xFFFFFFF0];
	[tilespmem:s16+$0x3060 ss:$0x81] =	vst.msk $0xffff, v3  }
0x3c: {  	v60 =	vld [tilespmem:s17+$0x0];
	s15 =	sadd.s32 s18, s15;
	[tilespmem:s16+$0x0 ss:$0x81] =	vst.msk $0xffff, v0  }
0x3d: {  	v61 =	vld [tilespmem:s17+$0x10];
	[tilespmem:s15+$0x3870 ss:$0x81] =	vst.msk $0xffff, v4  }
0x3e: {  	v62 =	vld [tilespmem:s17+$0x20];
	s26 =	sshll.u32 s13, $0xA;
	s27 =	sshll.u32 s11, $0x3;
	s29 =	sshll.u32 s13, $0x7;
	[tilespmem:s15+$0x810 ss:$0x81] =	vst.msk $0xffff, v5  }
0x3f: {  	v63 =	vld [tilespmem:s17+$0xFFFFFFC0];
	s30 =	sand.u32 $0x78, s11;
	s12 =	sshll.u32 s12, $0x11;
	s31 =	sand.u32 $0x7, s11;
	[tilespmem:s15+$0x1020 ss:$0x81] =	vst.msk $0xffff, v58  }
0x40: {  	s28 =	sand.u32 $0xFFC00, s27;
	s13 =	sand.u32 $0x380, s29;
	s16 =	sand.u32 $0xFE000, s26;
	[tilespmem:s15+$0x1830 ss:$0x81] =	vst.msk $0xffff, v59  }
.Ltmp4:
0x41: {  	s13 =	sor.u32 s30, s13;
	s16 =	sadd.s32 s28, s16;
	[tilespmem:s15+$0x2040 ss:$0x81] =	vst.msk $0xffff, v60;
	(pc) =	sbr.rel .LBB1_5-.Ltmp4, $4  }
0x42: {  	s12 =	sadd.s32 s3, s12;
	s13 =	sshrl.u32 s13, $0x3;
	s16 =	sshrl.u32 s16, $0x3;
	[tilespmem:s15+$0x2850 ss:$0x81] =	vst.msk $0xffff, v61  }
0x43: {  	s11 =	sshll.u32 s31, $0x12;
	s12 =	sadd.s32 s13, s12;
	[tilespmem:s15+$0x3060 ss:$0x81] =	vst.msk $0xffff, v62;
	s16 =	sand.u32 $0x1FF80, s16  }
0x44: {  	s11 =	sor.u32 $0x400, s11;
	[tilespmem:s15+$0x0 ss:$0x81] =	vst.msk $0xffff, v63;
	s12 =	sadd.s32 s16, s12  }
0x45: {  	[hbm4b:s12+s11] =	stream.strided.scatter [tilespmem:s14], [sflag:$0x2], $0x4000, s6, s11, $0x20;
	[tilespmem:$0x10100] =	vst v63  }
.LBB1_6:
0x46: {  	_ =	sfence.sel $0x180000  }
0x47: {  	s2 =	simm.s32 $0x1;
	[bflag:$0x0] =	sbarrier.arrive $0xFFFF  }
0x48: {  	s31 =	simm.s32 $0x2;
	[sflag:s2] =	ssyncpa.u1 $0x1  }
0x49: {  	[sflag:s31] =	ssyncpa.u1 $0x1  }
0x4a: {  	p0 =	sne.s32 s1, $0x0;
	_ =	strace $0x9000004D  }
0x4b: {  	s0 =	sadd.s32 @!p0 $0x100000, s0;
	[bflag:$0x2] =	sbarrier.arrive $0xFFFF  }
0x4c: {  	[sflag:s0] =	ssyncadd.tile.s32 @!p0 $0x1;
	_ =	shalt  }
.Lfunc_end1:
_tile_overlayer_lowered:
.L_overlay_start_2:
0x4d: {  	(tag) =	ssettag $0x2  }
0x4e: {  	s0 =	rddreg [dreg:$0x0];
	s2 =	stileid.u32  }
0x4f: {  	s1 =	rddreg [dreg:$0x1];
	p0 =	sne.s32 s2, $0x0  }
0x50: {  	s3 =	rddreg [dreg:$0x2];
	[bflag:$0x3] =	sbarrier.arrive $0xFFFF;
	s2 =	simm.s32 @!p0 $0x1C01  }
0x51: {  	[timem:s3], [sflag:s2] =	dma.local @!p0 [hbm:s0], s1  }
0x52: {  	s0 =	simm.s32 @!p0 $0x1  }
0x53: {  	_ =	swait.ge @!p0 [sflag:s0], s1  }
0x54: {  	s1 =	ssub.s32 @!p0 $0x0, s1;
	[sflag:s0] =	ssyncset.done @!p0 $0x0  }
0x55: {  	[sflag:s0] =	ssyncadd.s32 @!p0 s1  }
0x56: {  	[bflag:$0x3] =	sbarrier.arrive $0xFFFF  }
0x57: {  	_ =	shalt  }

</sc_bundles>
